<compile_context>
chip_gen: v7x
topology: tpu7x:2x2x1
jax: 0.10.2.dev20260603
libtpu: 0.0.44.dev20260713+nightly
codegen_flags: <defaults>
</compile_context>

<pallas_src>
import functools

import jax
import jax.numpy as jnp
import numpy as np
from jax import lax
from jax.experimental import pallas as pl
from jax.experimental.pallas import tpu as pltpu
from jax.experimental.pallas import tpu_sc as plsc

_N, _A, _H, _W = 2, 3, 160, 160
_NANCH = _A * _H * _W
_ROWS, _LANES = _NANCH // 128, 128
_K = 6000
_POST = 1000
_NMS_THRESH = 0.7
_IM_W, _IM_H = 800.0, 800.0
_BBOX_CLIP = float(np.log(1000.0 / 16.0))
_ONE_BITS = 0x3F800000

_NSUB = 16
_CHUNK = _NANCH // _NSUB
_SLICES = _CHUNK // 16
_CROWS = 50
_CPAD = _CROWS * _LANES
_MAXCH = (_CHUNK + 127) // 128


def _prep_body(s_ref, ax1_ref, ay1_ref, ax2_ref, ay2_ref,
               rx_ref, ry_ref, rw_ref, rh_ref,
               x1_o, y1_o, x2_o, y2_o, meta_o):
    f32 = jnp.float32
    i32 = jnp.int32

    s = s_ref[0]
    si = jax.lax.bitcast_convert_type(s, i32)
    r_iota = jax.lax.broadcasted_iota(i32, (_ROWS, _LANES), 0)
    l_iota = jax.lax.broadcasted_iota(i32, (_ROWS, _LANES), 1)
    flat_iota = r_iota * _LANES + l_iota

    def _tau_step(_, lohi):
        lo, hi = lohi
        mid = lo + (hi - lo + 1) // 2
        cnt = jnp.sum((si >= mid).astype(i32))
        big = cnt >= _K
        return (jnp.where(big, mid, lo), jnp.where(big, hi, mid - 1))

    tau, _ = jax.lax.fori_loop(0, 31, _tau_step,
                               (jnp.int32(0), jnp.int32(_ONE_BITS)))
    n_gt = jnp.sum((si > tau).astype(i32))
    needed = _K - n_gt
    eq = si == tau

    def _m_step(_, lohi):
        lo, hi = lohi
        mid = (lo + hi) // 2
        cnt = jnp.sum((eq & (flat_iota < mid)).astype(i32))
        ok = cnt >= needed
        return (jnp.where(ok, lo, mid + 1), jnp.where(ok, mid, hi))

    m_cut, _ = jax.lax.fori_loop(0, 18, _m_step,
                                 (jnp.int32(0), jnp.int32(_NANCH)))
    in_set = (si > tau) | (eq & (flat_iota < m_cut))

    chunk_id = flat_iota // _CHUNK
    lane_row = jax.lax.broadcasted_iota(i32, (1, _LANES), 1)
    counts = jnp.zeros((1, _LANES), i32)
    for k in range(_NSUB):
        ck = jnp.sum((in_set & (chunk_id == k)).astype(i32))
        counts = jnp.where(lane_row == k, ck, counts)
    meta_o[0, pl.ds(0, 1), :] = counts
    meta_o[0, pl.ds(1, 1), :] = jnp.full((1, _LANES), tau, i32)
    meta_o[0, pl.ds(2, 1), :] = jnp.full((1, _LANES), m_cut, i32)

    ax1, ay1, ax2, ay2 = ax1_ref[0], ay1_ref[0], ax2_ref[0], ay2_ref[0]
    widths = ax2 - ax1 + 1.0
    heights = ay2 - ay1 + 1.0
    ctr_x = ax1 + 0.5 * widths
    ctr_y = ay1 + 0.5 * heights
    dx, dy = rx_ref[0], ry_ref[0]
    dw = jnp.minimum(rw_ref[0], _BBOX_CLIP)
    dh = jnp.minimum(rh_ref[0], _BBOX_CLIP)
    pred_ctr_x = dx * widths + ctr_x
    pred_ctr_y = dy * heights + ctr_y
    pred_w = jnp.exp(dw) * widths
    pred_h = jnp.exp(dh) * heights
    x1_o[0] = jnp.clip(pred_ctr_x - 0.5 * pred_w, 0.0, _IM_W - 1.0)
    y1_o[0] = jnp.clip(pred_ctr_y - 0.5 * pred_h, 0.0, _IM_H - 1.0)
    x2_o[0] = jnp.clip(pred_ctr_x + 0.5 * pred_w - 1.0, 0.0, _IM_W - 1.0)
    y2_o[0] = jnp.clip(pred_ctr_y + 0.5 * pred_h - 1.0, 0.0, _IM_H - 1.0)


_sc_mesh = plsc.VectorSubcoreMesh(core_axis_name="c", subcore_axis_name="s")


@functools.partial(
    pl.kernel,
    mesh=_sc_mesh,
    compiler_params=pltpu.CompilerParams(needs_layout_passes=False),
    out_type=[jax.ShapeDtypeStruct((_N * _CPAD,), jnp.float32)] * 5,
    scratch_types=[
        pltpu.VMEM((_CHUNK,), jnp.float32),
        pltpu.VMEM((16,), jnp.int32),
        pltpu.VMEM((16,), jnp.int32),
        pltpu.VMEM((16,), jnp.int32),
        pltpu.VMEM((_MAXCH * 128,), jnp.int32),
        pltpu.VMEM((_MAXCH, 128), jnp.int32),
        pltpu.VMEM((128,), jnp.float32),
        pltpu.VMEM((128,), jnp.float32),
        pltpu.VMEM((128,), jnp.float32),
        pltpu.VMEM((128,), jnp.float32),
        pltpu.VMEM((128,), jnp.float32),
        pltpu.SemaphoreType.DMA,
        pltpu.SemaphoreType.DMA,
    ],
)
def _sc_compact(scores_hbm, x1_hbm, y1_hbm, x2_hbm, y2_hbm, meta_hbm,
                ox1, oy1, ox2, oy2, osc,
                sc_v, cnt_v, tau_v, mcut_v, idxg, idxs,
                g0, g1, g2, g3, g4, sem_g, sem_s):
    i32 = jnp.int32
    img = lax.axis_index("c")
    sid = lax.axis_index("s")
    lane = lax.iota(i32, 16)

    base = pl.multiple_of(img * _NANCH + sid * _CHUNK, 8)
    pltpu.sync_copy(scores_hbm.at[pl.ds(base, _CHUNK)], sc_v)
    mbase = pl.multiple_of(img * 3 * _LANES, 8)
    pltpu.sync_copy(meta_hbm.at[pl.ds(mbase, 16)], cnt_v)
    pltpu.sync_copy(meta_hbm.at[pl.ds(mbase + _LANES, 16)], tau_v)
    pltpu.sync_copy(meta_hbm.at[pl.ds(mbase + 2 * _LANES, 16)], mcut_v)

    cnts = cnt_v[...]
    tau = tau_v[...]
    mcut = mcut_v[...]
    my_off = jnp.sum(jnp.where(lane < sid, cnts, 0))
    my_cnt = jnp.sum(jnp.where(lane == sid, cnts, 0))

    trash_g = jnp.full((16,), _N * _NANCH - 16, i32) + lane
    trash_s = img * _CPAD + 6144 + lane

    def _pref(j, _):
        idxg[pl.ds(j * 16, 16)] = trash_g
        idxs[j // 8, pl.ds((j % 8) * 16, 16)] = trash_s
        return 0

    lax.fori_loop(0, _MAXCH * 8, _pref, 0)

    cbase = sid * _CHUNK

    def _cstep(j, w):
        sv = sc_v[pl.ds(j * 16, 16)]
        si = lax.bitcast_convert_type(sv, i32)
        gidx = cbase + j * 16 + lane
        mask = (si > tau) | ((si == tau) & (gidx < mcut))
        mi = mask.astype(i32)
        cum = plsc.cumsum(mi)
        pos = w + cum - 1
        plsc.store_scatter(idxg, [pos], gidx + img * _NANCH, mask=mask)
        plsc.store_scatter(idxs, [pos // 128, pos % 128],
                           img * _CPAD + my_off + pos, mask=mask)
        return w + jnp.sum(mi)

    lax.fori_loop(0, _SLICES, _cstep, jnp.int32(0))

    nch = (my_cnt + 127) // 128

    def _dma(j, _):
        s0 = j * 128
        gs = idxg.at[pl.ds(s0, 128)]
        hs = [pltpu.async_copy(src.at[gs], dst, sem_g)
              for src, dst in ((x1_hbm, g0), (y1_hbm, g1), (x2_hbm, g2),
                               (y2_hbm, g3), (scores_hbm, g4))]
        for h in hs:
            h.wait()
        ss = idxs.at[j]
        ks = [pltpu.async_copy(src, dst.at[ss], sem_s)
              for src, dst in ((g0, ox1), (g1, oy1), (g2, ox2),
                               (g3, oy2), (g4, osc))]
        for k in ks:
            k.wait()
        return 0

    lax.fori_loop(0, nch, _dma, 0)


def _nms_body(x1_ref, y1_ref, x2_ref, y2_ref, s_ref, out_ref, sc_s, bar_s):
    f32 = jnp.float32
    i32 = jnp.int32

    r_iota = jax.lax.broadcasted_iota(i32, (_CROWS, _LANES), 0)
    l_iota = jax.lax.broadcasted_iota(i32, (_CROWS, _LANES), 1)
    flat_iota = r_iota * _LANES + l_iota

    sc_s[:] = jnp.where(flat_iota < _K, s_ref[0], f32(-1.0))
    x1a, y1a = x1_ref[0], y1_ref[0]
    x2a, y2a = x2_ref[0], y2_ref[0]
    bar_s[:] = (x2a - x1a + 1.0) * (y2a - y1a + 1.0)

    lane1 = jax.lax.broadcasted_iota(i32, (1, _LANES), 1)
    iota8 = jax.lax.broadcasted_iota(i32, (1, 8), 1)

    def _step(t, _):
        s_cur = sc_s[:]
        m = jnp.max(s_cur)
        fi = jnp.min(jnp.where(s_cur == m, flat_iota, _CPAD))
        valid = m > 0.0
        r = fi // _LANES
        c = fi % _LANES
        lane_eq = lane1 == c

        def _pick(ref):
            row = ref[0, pl.ds(r, 1), :]
            return jnp.sum(jnp.where(lane_eq, row, f32(0.0)))

        bx1 = _pick(x1_ref)
        by1 = _pick(y1_ref)
        bx2 = _pick(x2_ref)
        by2 = _pick(y2_ref)
        bar = jnp.sum(jnp.where(lane_eq, bar_s[pl.ds(r, 1), :], f32(0.0)))

        xx1 = jnp.maximum(bx1, x1a)
        yy1 = jnp.maximum(by1, y1a)
        xx2 = jnp.minimum(bx2, x2a)
        yy2 = jnp.minimum(by2, y2a)
        w = jnp.maximum(xx2 - xx1 + 1.0, 0.0)
        h = jnp.maximum(yy2 - yy1 + 1.0, 0.0)
        inter = w * h
        iou = inter / (bar + bar_s[:] - inter)
        supp = (iou > _NMS_THRESH) | (flat_iota == fi)
        sc_s[:] = jnp.where(supp & valid, f32(-1.0), s_cur)

        vals = (bx1, by1, bx2, by2, m, f32(1.0))
        row8 = jnp.zeros((1, 8), f32)
        for j, v in enumerate(vals):
            row8 = jnp.where(iota8 == j, v, row8)
        out_ref[0, pl.ds(t, 1), :] = jnp.where(valid, row8, f32(0.0))
        return 0

    jax.lax.fori_loop(0, _POST, _step, 0)


@jax.jit
def kernel(anchors, objectness, box_regression):
    obj = jnp.transpose(objectness, (0, 2, 3, 1)).reshape(_N, _NANCH)
    scores = jax.nn.sigmoid(obj).reshape(_N, _ROWS, _LANES)
    reg = box_regression.reshape(_N, _A, 4, _H, _W)
    reg = jnp.transpose(reg, (0, 3, 4, 1, 2)).reshape(_N, _NANCH, 4)
    anc = anchors.reshape(_N, _NANCH, 4)

    def _planes(arr):
        return tuple(arr[..., j].reshape(_N, _ROWS, _LANES) for j in range(4))

    ax1, ay1, ax2, ay2 = _planes(anc)
    rx, ry, rw, rh = _planes(reg)

    blk = pl.BlockSpec((1, _ROWS, _LANES), lambda n: (n, 0, 0))
    x1p, y1p, x2p, y2p, meta = pl.pallas_call(
        _prep_body,
        grid=(_N,),
        in_specs=[blk] * 9,
        out_specs=[blk] * 4 + [pl.BlockSpec((1, 3, _LANES), lambda n: (n, 0, 0))],
        out_shape=[jax.ShapeDtypeStruct((_N, _ROWS, _LANES), jnp.float32)] * 4
        + [jax.ShapeDtypeStruct((_N, 3, _LANES), jnp.int32)],
    )(scores, ax1, ay1, ax2, ay2, rx, ry, rw, rh)

    flat = lambda a: a.reshape(-1)
    cx1, cy1, cx2, cy2, csc = _sc_compact(
        flat(scores), flat(x1p), flat(y1p), flat(x2p), flat(y2p), flat(meta))

    cshape = lambda a: a.reshape(_N, _CROWS, _LANES)
    cblk = pl.BlockSpec((1, _CROWS, _LANES), lambda n: (n, 0, 0))
    out = pl.pallas_call(
        _nms_body,
        grid=(_N,),
        in_specs=[cblk] * 5,
        out_specs=pl.BlockSpec((1, _POST, 8), lambda n: (n, 0, 0)),
        out_shape=jax.ShapeDtypeStruct((_N, _POST, 8), jnp.float32),
        scratch_shapes=[pltpu.VMEM((_CROWS, _LANES), jnp.float32)] * 2,
    )(cshape(cx1), cshape(cy1), cshape(cx2), cshape(cy2), cshape(csc))

    return out[..., 0:4], out[..., 4], out[..., 5]

# --- scband reference (transcript-rebuilt; emitter-appended) ---
"""Pipeline reference for scband-rpnpost-processor-12163347382879 (READ-ONLY COPY).

The authoritative reference and input builder live on the scoring server;
editing this copy changes nothing except your own understanding.
"""

import jax, jax.numpy as jnp
import numpy as np

N, A, H, W = 2, 3, 160, 160
PRE_NMS_TOP_N = 6000
POST_NMS_TOP_N = 1000
NMS_THRESH = 0.7
MIN_SIZE = 0.0
IM_W, IM_H = 800.0, 800.0
BBOX_XFORM_CLIP = float(np.log(1000.0 / 16.0))


def setup_inputs(seed: int = 0) -> dict:
    key = jax.random.key(seed)
    k1, k2, k3, k4 = jax.random.split(key, 4)
    objectness = jax.random.normal(k1, (N, A, H, W), dtype=jnp.float32)
    box_regression = jax.random.normal(k2, (N, A * 4, H, W), dtype=jnp.float32) * 0.1
    # plausible anchors: centers uniform over the image, sizes in [16, 256]
    ctr = jax.random.uniform(k3, (N * A * H * W, 2), dtype=jnp.float32) * 800.0
    wh = jax.random.uniform(k4, (N * A * H * W, 2), dtype=jnp.float32) * 240.0 + 16.0
    anchors = jnp.concatenate([ctr - 0.5 * wh, ctr + 0.5 * wh - 1.0], axis=1)
    return {"anchors": anchors, "objectness": objectness, "box_regression": box_regression}


def decode(rel_codes, boxes):
    # BoxCoder(weights=(1,1,1,1)).decode, x2y2correction=-1 path
    TO_REMOVE = 1.0
    widths = boxes[:, 2] - boxes[:, 0] + TO_REMOVE
    heights = boxes[:, 3] - boxes[:, 1] + TO_REMOVE
    ctr_x = boxes[:, 0] + 0.5 * widths
    ctr_y = boxes[:, 1] + 0.5 * heights
    dx = rel_codes[:, 0]
    dy = rel_codes[:, 1]
    dw = jnp.minimum(rel_codes[:, 2], BBOX_XFORM_CLIP)
    dh = jnp.minimum(rel_codes[:, 3], BBOX_XFORM_CLIP)
    pred_ctr_x = dx * widths + ctr_x
    pred_ctr_y = dy * heights + ctr_y
    pred_w = jnp.exp(dw) * widths
    pred_h = jnp.exp(dh) * heights
    x1 = pred_ctr_x - 0.5 * pred_w
    y1 = pred_ctr_y - 0.5 * pred_h
    x2 = pred_ctr_x + 0.5 * pred_w - 1.0
    y2 = pred_ctr_y + 0.5 * pred_h - 1.0
    return jnp.stack([x1, y1, x2, y2], axis=1)


def nms_single(boxes, scores):
    # greedy NMS; invalid entries carry score -1 (valid sigmoid scores are in (0,1))
    x1, y1, x2, y2 = boxes[:, 0], boxes[:, 1], boxes[:, 2], boxes[:, 3]
    areas = (x2 - x1 + 1.0) * (y2 - y1 + 1.0)

    def step(s, _):
        idx = jnp.argmax(s)
        valid = s[idx] > 0.0
        xx1 = jnp.maximum(x1[idx], x1)
        yy1 = jnp.maximum(y1[idx], y1)
        xx2 = jnp.minimum(x2[idx], x2)
        yy2 = jnp.minimum(y2[idx], y2)
        w = jnp.maximum(xx2 - xx1 + 1.0, 0.0)
        h = jnp.maximum(yy2 - yy1 + 1.0, 0.0)
        inter = w * h
        iou = inter / (areas[idx] + areas - inter)
        suppress = iou > NMS_THRESH
        s_new = jnp.where(suppress, -1.0, s)
        s_new = s_new.at[idx].set(-1.0)
        s_new = jnp.where(valid, s_new, s)
        out_box = jnp.where(valid, boxes[idx], jnp.zeros(4, dtype=boxes.dtype))
        out_score = jnp.where(valid, s[idx], 0.0)
        return s_new, (out_box, out_score, valid.astype(jnp.float32))

    _, (kb, ks, km) = jax.lax.scan(step, scores, None, length=POST_NMS_TOP_N)
    return kb, ks, km


def reference(anchors, objectness, box_regression):
    # permute_and_flatten: (N, A, H, W) -> (N, H*W*A)
    obj = jnp.transpose(objectness, (0, 2, 3, 1)).reshape(N, -1)
    obj = jax.nn.sigmoid(obj)
    reg = box_regression.reshape(N, A, 4, H, W)
    reg = jnp.transpose(reg, (0, 3, 4, 1, 2)).reshape(N, -1, 4)
    num_anchors = A * H * W
    pre_nms = min(PRE_NMS_TOP_N, num_anchors)
    top_scores, topk_idx = jax.lax.top_k(obj, pre_nms)
    reg_top = jnp.take_along_axis(reg, topk_idx[:, :, None], axis=1)
    anc = anchors.reshape(N, -1, 4)
    anc_top = jnp.take_along_axis(anc, topk_idx[:, :, None], axis=1)
    proposals = decode(reg_top.reshape(-1, 4), anc_top.reshape(-1, 4)).reshape(N, pre_nms, 4)
    # clip_to_image(remove_empty=False)
    px1 = jnp.clip(proposals[..., 0], 0.0, IM_W - 1.0)
    py1 = jnp.clip(proposals[..., 1], 0.0, IM_H - 1.0)
    px2 = jnp.clip(proposals[..., 2], 0.0, IM_W - 1.0)
    py2 = jnp.clip(proposals[..., 3], 0.0, IM_H - 1.0)
    proposals = jnp.stack([px1, py1, px2, py2], axis=-1)
    # remove_small_boxes (static-shape: mask scores instead of dropping rows)
    ws = proposals[..., 2] - proposals[..., 0] + 1.0
    hs = proposals[..., 3] - proposals[..., 1] + 1.0
    keep = (ws >= MIN_SIZE) & (hs >= MIN_SIZE)
    scores = jnp.where(keep, top_scores, -1.0)
    boxes_out, scores_out, mask_out = jax.vmap(nms_single)(proposals, scores)
    return boxes_out, scores_out, mask_out

if __name__ == "__main__":
    import jax
    _d = setup_inputs()
    print(jax.jit(kernel)(*tuple(_d.values())))

</pallas_src>

<mosaic_0001>
#map = affine_map<(d0, d1) -> (0)>
module attributes {stable_mosaic.version = 14 : i64} {
  func.func @_sc_compact(%arg0: i32, %arg1: i32, %arg2: memref<153600xf32, #tpu.memory_space<hbm>>, %arg3: memref<153600xf32, #tpu.memory_space<hbm>>, %arg4: memref<153600xf32, #tpu.memory_space<hbm>>, %arg5: memref<153600xf32, #tpu.memory_space<hbm>>, %arg6: memref<153600xf32, #tpu.memory_space<hbm>>, %arg7: memref<768xi32, #tpu.memory_space<hbm>>, %arg8: memref<12800xf32, #tpu.memory_space<hbm>>, %arg9: memref<12800xf32, #tpu.memory_space<hbm>>, %arg10: memref<12800xf32, #tpu.memory_space<hbm>>, %arg11: memref<12800xf32, #tpu.memory_space<hbm>>, %arg12: memref<12800xf32, #tpu.memory_space<hbm>>, %arg13: memref<4800xf32, #tpu.memory_space<vmem>>, %arg14: memref<16xi32, #tpu.memory_space<vmem>>, %arg15: memref<16xi32, #tpu.memory_space<vmem>>, %arg16: memref<16xi32, #tpu.memory_space<vmem>>, %arg17: memref<4864xi32, #tpu.memory_space<vmem>>, %arg18: memref<38x128xi32, #tpu.memory_space<vmem>>, %arg19: memref<128xf32, #tpu.memory_space<vmem>>, %arg20: memref<128xf32, #tpu.memory_space<vmem>>, %arg21: memref<128xf32, #tpu.memory_space<vmem>>, %arg22: memref<128xf32, #tpu.memory_space<vmem>>, %arg23: memref<128xf32, #tpu.memory_space<vmem>>, %arg24: memref<!tpu.dma_semaphore, #tpu.memory_space<semaphore_mem>>, %arg25: memref<!tpu.dma_semaphore, #tpu.memory_space<semaphore_mem>>) attributes {dimension_semantics = [#tpu.dimension_semantics<core_parallel>, #tpu.dimension_semantics<subcore_parallel>], iteration_bounds = array<i64: 2, 16>, scalar_prefetch = 0 : i64, scratch_operands = 13 : i64, tpu.core_type = #tpu.core_type<sc_vector_subcore>, window_params = [{transform_indices = #map}, {transform_indices = #map}, {transform_indices = #map}, {transform_indices = #map}, {transform_indices = #map}, {transform_indices = #map}, {transform_indices = #map}, {transform_indices = #map}, {transform_indices = #map}, {transform_indices = #map}, {transform_indices = #map}]} {
    %iota3A = tpu.iota {dimensions = array<i32: 0>} : vector<16xi32>
    %mul3A = arith.constant 76800 : i32
    %mul3A_0 = arith.muli %arg0, %mul3A : i32
    %mul3A_1 = arith.constant 4800 : i32
    %mul3A_2 = arith.muli %arg1, %mul3A_1 : i32
    %add3A = arith.addi %mul3A_0, %mul3A_2 : i32
    %multiple_of3A = tpu.assume_multiple %add3A, 8 : i32
    "tpu.region"() ({
      %run_scoped3A = tpu.sem_alloc : memref<!tpu.dma_semaphore, #tpu.memory_space<semaphore_mem>>
      %dma_start3A = tpu.memref_slice %arg2[%multiple_of3A] : memref<153600xf32, #tpu.memory_space<hbm>> -> memref<4800xf32, #tpu.memory_space<hbm>>
      %dma_start3A_84 = tpu.memref_slice %arg2[%multiple_of3A] : memref<153600xf32, #tpu.memory_space<hbm>> -> memref<4800xf32, #tpu.memory_space<hbm>>
      tpu.enqueue_dma source(%dma_start3A_84 : memref<4800xf32, #tpu.memory_space<hbm>>) target(%arg13 : memref<4800xf32, #tpu.memory_space<vmem>>) target_semaphore(%run_scoped3A : memref<!tpu.dma_semaphore, #tpu.memory_space<semaphore_mem>>)
      %dma_wait3A = tpu.memref_slice %arg2[%multiple_of3A] : memref<153600xf32, #tpu.memory_space<hbm>> -> memref<4800xf32, #tpu.memory_space<hbm>>
      %dma_wait3A_85 = tpu.memref_slice %arg2[%multiple_of3A] : memref<153600xf32, #tpu.memory_space<hbm>> -> memref<4800xf32, #tpu.memory_space<hbm>>
      tpu.wait_dma2 semaphore(%run_scoped3A : memref<!tpu.dma_semaphore, #tpu.memory_space<semaphore_mem>>) src(%dma_wait3A_85 : memref<4800xf32, #tpu.memory_space<hbm>>) dst(%arg13 : memref<4800xf32, #tpu.memory_space<vmem>>)
      tpu.yield
    }) : () -> ()
    %mul3A_3 = arith.constant 3 : i32
    %mul3A_4 = arith.muli %arg0, %mul3A_3 : i32
    %mul3A_5 = arith.constant 128 : i32
    %mul3A_6 = arith.muli %mul3A_4, %mul3A_5 : i32
    %multiple_of3A_7 = tpu.assume_multiple %mul3A_6, 8 : i32
    "tpu.region"() ({
      %run_scoped3A = tpu.sem_alloc : memref<!tpu.dma_semaphore, #tpu.memory_space<semaphore_mem>>
      %dma_start3A = tpu.memref_slice %arg7[%multiple_of3A_7] : memref<768xi32, #tpu.memory_space<hbm>> -> memref<16xi32, #tpu.memory_space<hbm>>
      %dma_start3A_84 = tpu.memref_slice %arg7[%multiple_of3A_7] : memref<768xi32, #tpu.memory_space<hbm>> -> memref<16xi32, #tpu.memory_space<hbm>>
      tpu.enqueue_dma source(%dma_start3A_84 : memref<16xi32, #tpu.memory_space<hbm>>) target(%arg14 : memref<16xi32, #tpu.memory_space<vmem>>) target_semaphore(%run_scoped3A : memref<!tpu.dma_semaphore, #tpu.memory_space<semaphore_mem>>)
      %dma_wait3A = tpu.memref_slice %arg7[%multiple_of3A_7] : memref<768xi32, #tpu.memory_space<hbm>> -> memref<16xi32, #tpu.memory_space<hbm>>
      %dma_wait3A_85 = tpu.memref_slice %arg7[%multiple_of3A_7] : memref<768xi32, #tpu.memory_space<hbm>> -> memref<16xi32, #tpu.memory_space<hbm>>
      tpu.wait_dma2 semaphore(%run_scoped3A : memref<!tpu.dma_semaphore, #tpu.memory_space<semaphore_mem>>) src(%dma_wait3A_85 : memref<16xi32, #tpu.memory_space<hbm>>) dst(%arg14 : memref<16xi32, #tpu.memory_space<vmem>>)
      tpu.yield
    }) : () -> ()
    %add3A_8 = arith.constant 128 : i32
    %add3A_9 = arith.addi %multiple_of3A_7, %add3A_8 : i32
    "tpu.region"() ({
      %run_scoped3A = tpu.sem_alloc : memref<!tpu.dma_semaphore, #tpu.memory_space<semaphore_mem>>
      %dma_start3A = tpu.memref_slice %arg7[%add3A_9] : memref<768xi32, #tpu.memory_space<hbm>> -> memref<16xi32, #tpu.memory_space<hbm>>
      %dma_start3A_84 = tpu.memref_slice %arg7[%add3A_9] : memref<768xi32, #tpu.memory_space<hbm>> -> memref<16xi32, #tpu.memory_space<hbm>>
      tpu.enqueue_dma source(%dma_start3A_84 : memref<16xi32, #tpu.memory_space<hbm>>) target(%arg15 : memref<16xi32, #tpu.memory_space<vmem>>) target_semaphore(%run_scoped3A : memref<!tpu.dma_semaphore, #tpu.memory_space<semaphore_mem>>)
      %dma_wait3A = tpu.memref_slice %arg7[%add3A_9] : memref<768xi32, #tpu.memory_space<hbm>> -> memref<16xi32, #tpu.memory_space<hbm>>
      %dma_wait3A_85 = tpu.memref_slice %arg7[%add3A_9] : memref<768xi32, #tpu.memory_space<hbm>> -> memref<16xi32, #tpu.memory_space<hbm>>
      tpu.wait_dma2 semaphore(%run_scoped3A : memref<!tpu.dma_semaphore, #tpu.memory_space<semaphore_mem>>) src(%dma_wait3A_85 : memref<16xi32, #tpu.memory_space<hbm>>) dst(%arg15 : memref<16xi32, #tpu.memory_space<vmem>>)
      tpu.yield
    }) : () -> ()
    %add3A_10 = arith.constant 256 : i32
    %add3A_11 = arith.addi %multiple_of3A_7, %add3A_10 : i32
    "tpu.region"() ({
      %run_scoped3A = tpu.sem_alloc : memref<!tpu.dma_semaphore, #tpu.memory_space<semaphore_mem>>
      %dma_start3A = tpu.memref_slice %arg7[%add3A_11] : memref<768xi32, #tpu.memory_space<hbm>> -> memref<16xi32, #tpu.memory_space<hbm>>
      %dma_start3A_84 = tpu.memref_slice %arg7[%add3A_11] : memref<768xi32, #tpu.memory_space<hbm>> -> memref<16xi32, #tpu.memory_space<hbm>>
      tpu.enqueue_dma source(%dma_start3A_84 : memref<16xi32, #tpu.memory_space<hbm>>) target(%arg16 : memref<16xi32, #tpu.memory_space<vmem>>) target_semaphore(%run_scoped3A : memref<!tpu.dma_semaphore, #tpu.memory_space<semaphore_mem>>)
      %dma_wait3A = tpu.memref_slice %arg7[%add3A_11] : memref<768xi32, #tpu.memory_space<hbm>> -> memref<16xi32, #tpu.memory_space<hbm>>
      %dma_wait3A_85 = tpu.memref_slice %arg7[%add3A_11] : memref<768xi32, #tpu.memory_space<hbm>> -> memref<16xi32, #tpu.memory_space<hbm>>
      tpu.wait_dma2 semaphore(%run_scoped3A : memref<!tpu.dma_semaphore, #tpu.memory_space<semaphore_mem>>) src(%dma_wait3A_85 : memref<16xi32, #tpu.memory_space<hbm>>) dst(%arg16 : memref<16xi32, #tpu.memory_space<vmem>>)
      tpu.yield
    }) : () -> ()
    %get3A = arith.constant 0 : index
    %get3A_12 = tpu.vector_load %arg14[%get3A] {strides = array<i32>} : memref<16xi32, #tpu.memory_space<vmem>>, vector<16xi32>,
    %get3A_13 = arith.constant 0 : index
    %get3A_14 = tpu.vector_load %arg15[%get3A_13] {strides = array<i32>} : memref<16xi32, #tpu.memory_space<vmem>>, vector<16xi32>,
    %get3A_15 = arith.constant 0 : index
    %get3A_16 = tpu.vector_load %arg16[%get3A_15] {strides = array<i32>} : memref<16xi32, #tpu.memory_space<vmem>>, vector<16xi32>,
    %lt3A = vector.broadcast %arg1 : i32 to vector<16xi32>
    %lt3A_17 = arith.cmpi slt, %iota3A, %lt3A : vector<16xi32>
    %jit3A = arith.constant 0 : i32
    %broadcast_in_dim3A = vector.broadcast %jit3A : i32 to vector<16xi32>
    %select_n3A = arith.select %lt3A_17, %get3A_12, %broadcast_in_dim3A : vector<16xi1>, vector<16xi32>
    %reduce_sum3A = arith.constant true
    %reduce_sum3A_18 = vector.broadcast %reduce_sum3A : i1 to vector<16xi1>
    %reduce_sum3A_19 = tpu.scan <sum>, %select_n3A masked %reduce_sum3A_18 : vector<16xi32>, vector<16xi1> -> vector<16xi32>
    %reduce_sum3A_20 = vector.extract %reduce_sum3A_19[15] : i32 from vector<16xi32>
    %eq3A = vector.broadcast %arg1 : i32 to vector<16xi32>
    %eq3A_21 = arith.cmpi eq, %iota3A, %eq3A : vector<16xi32>
    %jit3A_22 = arith.constant 0 : i32
    %broadcast_in_dim3A_23 = vector.broadcast %jit3A_22 : i32 to vector<16xi32>
    %select_n3A_24 = arith.select %eq3A_21, %get3A_12, %broadcast_in_dim3A_23 : vector<16xi1>, vector<16xi32>
    %reduce_sum3A_25 = arith.constant true
    %reduce_sum3A_26 = vector.broadcast %reduce_sum3A_25 : i1 to vector<16xi1>
    %reduce_sum3A_27 = tpu.scan <sum>, %select_n3A_24 masked %reduce_sum3A_26 : vector<16xi32>, vector<16xi1> -> vector<16xi32>
    %reduce_sum3A_28 = vector.extract %reduce_sum3A_27[15] : i32 from vector<16xi32>
    %broadcast_in_dim3A_29 = arith.constant 153584 : i32
    %broadcast_in_dim3A_30 = vector.broadcast %broadcast_in_dim3A_29 : i32 to vector<16xi32>
    %add3A_31 = arith.addi %broadcast_in_dim3A_30, %iota3A : vector<16xi32>
    %mul3A_32 = arith.constant 6400 : i32
    %mul3A_33 = arith.muli %arg0, %mul3A_32 : i32
    %add3A_34 = arith.constant 6144 : i32
    %add3A_35 = arith.addi %mul3A_33, %add3A_34 : i32
    %add3A_36 = vector.broadcast %add3A_35 : i32 to vector<16xi32>
    %add3A_37 = arith.addi %add3A_36, %iota3A : vector<16xi32>
    %scan3A = arith.constant 0 : i32
    %scan3A_38 = arith.constant 0 : i32
    %scan3A_39 = arith.constant 304 : i32
    %scan3A_40 = arith.addi %scan3A_38, %scan3A_39 : i32
    %scan3A_41 = arith.constant 1 : i32
    %scan3A_42 = scf.for %scan3A_84 = %scan3A_38 to %scan3A_40 step %scan3A_41 iter_args(%scan3A_85 = %scan3A) -> (i32)  : i32 {
      %mul3A_86 = arith.constant 16 : i32
      %mul3A_87 = arith.muli %scan3A_84, %mul3A_86 : i32
      %swap3A = arith.index_cast %mul3A_87 : i32 to index
      %swap3A_88 = tpu.vector_load %arg17[%swap3A] {strides = array<i32>} : memref<4864xi32, #tpu.memory_space<vmem>>, vector<16xi32>,
      tpu.vector_store %arg17[%swap3A], %add3A_31 {strides = array<i32>} : memref<4864xi32, #tpu.memory_space<vmem>>, vector<16xi32>,
      %jit3A_89 = arith.constant 8 : i32
      %div3A_90 = arith.divsi %scan3A_84, %jit3A_89 : i32
      %sign3A_91 = arith.constant 0 : i32
      %sign3A_92 = arith.cmpi sgt, %scan3A_84, %sign3A_91 : i32
      %sign3A_93 = arith.extui %sign3A_92 : i1 to i32
      %sign3A_94 = arith.constant 0 : i32
      %sign3A_95 = arith.cmpi slt, %scan3A_84, %sign3A_94 : i32
      %sign3A_96 = arith.extui %sign3A_95 : i1 to i32
      %sign3A_97 = arith.subi %sign3A_93, %sign3A_96 : i32
      %sign3A_98 = arith.constant 0 : i32
      %sign3A_99 = arith.cmpi sgt, %jit3A_89, %sign3A_98 : i32
      %sign3A_100 = arith.extui %sign3A_99 : i1 to i32
      %sign3A_101 = arith.constant 0 : i32
      %sign3A_102 = arith.cmpi slt, %jit3A_89, %sign3A_101 : i32
      %sign3A_103 = arith.extui %sign3A_102 : i1 to i32
      %sign3A_104 = arith.subi %sign3A_100, %sign3A_103 : i32
      %ne3A_105 = arith.cmpi ne, %sign3A_97, %sign3A_104 : i32
      %rem3A_106 = arith.remsi %scan3A_84, %jit3A_89 : i32
      %ne3A_107 = arith.constant 0 : i32
      %ne3A_108 = arith.cmpi ne, %rem3A_106, %ne3A_107 : i32
      %and3A_109 = arith.andi %ne3A_105, %ne3A_108 : i1
      %sub3A_110 = arith.constant 1 : i32
      %sub3A_111 = arith.subi %div3A_90, %sub3A_110 : i32
      %select_n3A_112 = arith.select %and3A_109, %sub3A_111, %div3A_90 : i32
      %jit3A_113 = arith.constant 8 : i32
      %eq3A_114 = arith.constant 0 : i32
      %eq3A_115 = arith.cmpi eq, %jit3A_113, %eq3A_114 : i32
      %jit3A_116 = arith.constant 1 : i32
      %select_n3A_117 = arith.select %eq3A_115, %jit3A_116, %jit3A_113 : i32
      %rem3A_118 = arith.remsi %scan3A_84, %select_n3A_117 : i32
      %ne3A_119 = arith.constant 0 : i32
      %ne3A_120 = arith.cmpi ne, %rem3A_118, %ne3A_119 : i32
      %lt3A_121 = arith.constant 0 : i32
      %lt3A_122 = arith.cmpi slt, %rem3A_118, %lt3A_121 : i32
      %lt3A_123 = arith.constant 0 : i32
      %lt3A_124 = arith.cmpi slt, %select_n3A_117, %lt3A_123 : i32
      %ne3A_125 = arith.xori %lt3A_122, %lt3A_124 : i1
      %and3A_126 = arith.andi %ne3A_125, %ne3A_120 : i1
      %add3A_127 = arith.addi %rem3A_118, %select_n3A_117 : i32
      %select_n3A_128 = arith.select %and3A_126, %add3A_127, %rem3A_118 : i32
      %mul3A_129 = arith.constant 16 : i32
      %mul3A_130 = arith.muli %select_n3A_128, %mul3A_129 : i32
      %swap3A_131 = arith.index_cast %select_n3A_112 : i32 to index
      %swap3A_132 = arith.index_cast %mul3A_130 : i32 to index
      %swap3A_133 = tpu.vector_load %arg18[%swap3A_131, %swap3A_132] {strides = array<i32>} : memref<38x128xi32, #tpu.memory_space<vmem>>, vector<16xi32>,
      tpu.vector_store %arg18[%swap3A_131, %swap3A_132], %add3A_37 {strides = array<i32>} : memref<38x128xi32, #tpu.memory_space<vmem>>, vector<16xi32>,
      %scan3A_134 = arith.constant 0 : i32
      scf.yield %scan3A_134 : i32
    }
    %scan3A_43 = arith.constant 304 : i32
    %mul3A_44 = arith.constant 4800 : i32
    %mul3A_45 = arith.muli %arg1, %mul3A_44 : i32
    %scan3A_46 = arith.constant 0 : i32
    %scan3A_47 = arith.constant 0 : i32
    %scan3A_48 = arith.constant 300 : i32
    %scan3A_49 = arith.addi %scan3A_47, %scan3A_48 : i32
    %scan3A_50 = arith.constant 1 : i32
    %scan3A_51 = scf.for %scan3A_84 = %scan3A_47 to %scan3A_49 step %scan3A_50 iter_args(%scan3A_85 = %scan3A_46) -> (i32)  : i32 {
      %mul3A_86 = arith.constant 16 : i32
      %mul3A_87 = arith.muli %scan3A_84, %mul3A_86 : i32
      %get3A_88 = arith.index_cast %mul3A_87 : i32 to index
      %get3A_89 = tpu.vector_load %arg13[%get3A_88] {strides = array<i32>} : memref<4800xf32, #tpu.memory_space<vmem>>, vector<16xf32>,
      %bitcast_convert_type3A = tpu.bitcast %get3A_89 : vector<16xf32> -> vector<16xi32>
      %mul3A_90 = arith.constant 16 : i32
      %mul3A_91 = arith.muli %scan3A_84, %mul3A_90 : i32
      %add3A_92 = arith.addi %mul3A_45, %mul3A_91 : i32
      %add3A_93 = vector.broadcast %add3A_92 : i32 to vector<16xi32>
      %add3A_94 = arith.addi %add3A_93, %iota3A : vector<16xi32>
      %gt3A = arith.cmpi sgt, %bitcast_convert_type3A, %get3A_14 : vector<16xi32>
      %eq3A_95 = arith.cmpi eq, %bitcast_convert_type3A, %get3A_14 : vector<16xi32>
      %lt3A_96 = arith.cmpi slt, %add3A_94, %get3A_16 : vector<16xi32>
      %and3A_97 = arith.andi %eq3A_95, %lt3A_96 : vector<16xi1>
      %or3A = arith.ori %gt3A, %and3A_97 : vector<16xi1>
      %convert_element_type3A = arith.extui %or3A : vector<16xi1> to vector<16xi32>
      %broadcast_in_dim3A_98 = arith.constant true
      %broadcast_in_dim3A_99 = vector.broadcast %broadcast_in_dim3A_98 : i1 to vector<16xi1>
      %masked_cumsum3A = tpu.scan <sum>, %convert_element_type3A masked %broadcast_in_dim3A_99 : vector<16xi32>, vector<16xi1> -> vector<16xi32>
      %add3A_100 = vector.broadcast %scan3A_85 : i32 to vector<16xi32>
      %add3A_101 = arith.addi %add3A_100, %masked_cumsum3A : vector<16xi32>
      %sub3A_102 = arith.constant 1 : i32
      %sub3A_103 = vector.broadcast %sub3A_102 : i32 to vector<16xi32>
      %sub3A_104 = arith.subi %add3A_101, %sub3A_103 : vector<16xi32>
      %mul3A_105 = arith.constant 76800 : i32
      %mul3A_106 = arith.muli %arg0, %mul3A_105 : i32
      %add3A_107 = vector.broadcast %mul3A_106 : i32 to vector<16xi32>
      %add3A_108 = arith.addi %add3A_94, %add3A_107 : vector<16xi32>
      tpu.vector_store_idx %arg17[%sub3A_104], %add3A_108 masked %or3A : memref<4864xi32, #tpu.memory_space<vmem>>[vector<16xi32>], vector<16xi32>, vector<16xi1>
      %jit3A_109 = arith.constant 128 : i32
      %div3A_110 = vector.broadcast %jit3A_109 : i32 to vector<16xi32>
      %div3A_111 = arith.divsi %sub3A_104, %div3A_110 : vector<16xi32>
      %sign3A_112 = arith.constant 0 : i32
      %sign3A_113 = vector.broadcast %sign3A_112 : i32 to vector<16xi32>
      %sign3A_114 = arith.cmpi sgt, %sub3A_104, %sign3A_113 : vector<16xi32>
      %sign3A_115 = arith.extui %sign3A_114 : vector<16xi1> to vector<16xi32>
      %sign3A_116 = arith.constant 0 : i32
      %sign3A_117 = vector.broadcast %sign3A_116 : i32 to vector<16xi32>
      %sign3A_118 = arith.cmpi slt, %sub3A_104, %sign3A_117 : vector<16xi32>
      %sign3A_119 = arith.extui %sign3A_118 : vector<16xi1> to vector<16xi32>
      %sign3A_120 = arith.subi %sign3A_115, %sign3A_119 : vector<16xi32>
      %sign3A_121 = arith.constant 0 : i32
      %sign3A_122 = arith.cmpi sgt, %jit3A_109, %sign3A_121 : i32
      %sign3A_123 = arith.extui %sign3A_122 : i1 to i32
      %sign3A_124 = arith.constant 0 : i32
      %sign3A_125 = arith.cmpi slt, %jit3A_109, %sign3A_124 : i32
      %sign3A_126 = arith.extui %sign3A_125 : i1 to i32
      %sign3A_127 = arith.subi %sign3A_123, %sign3A_126 : i32
      %ne3A_128 = vector.broadcast %sign3A_127 : i32 to vector<16xi32>
      %ne3A_129 = arith.cmpi ne, %sign3A_120, %ne3A_128 : vector<16xi32>
      %rem3A_130 = vector.broadcast %jit3A_109 : i32 to vector<16xi32>
      %rem3A_131 = arith.remsi %sub3A_104, %rem3A_130 : vector<16xi32>
      %ne3A_132 = arith.constant 0 : i32
      %ne3A_133 = vector.broadcast %ne3A_132 : i32 to vector<16xi32>
      %ne3A_134 = arith.cmpi ne, %rem3A_131, %ne3A_133 : vector<16xi32>
      %and3A_135 = arith.andi %ne3A_129, %ne3A_134 : vector<16xi1>
      %sub3A_136 = arith.constant 1 : i32
      %sub3A_137 = vector.broadcast %sub3A_136 : i32 to vector<16xi32>
      %sub3A_138 = arith.subi %div3A_111, %sub3A_137 : vector<16xi32>
      %select_n3A_139 = arith.select %and3A_135, %sub3A_138, %div3A_111 : vector<16xi1>, vector<16xi32>
      %jit3A_140 = arith.constant 128 : i32
      %eq3A_141 = arith.constant 0 : i32
      %eq3A_142 = arith.cmpi eq, %jit3A_140, %eq3A_141 : i32
      %jit3A_143 = arith.constant 1 : i32
      %select_n3A_144 = arith.select %eq3A_142, %jit3A_143, %jit3A_140 : i32
      %rem3A_145 = vector.broadcast %select_n3A_144 : i32 to vector<16xi32>
      %rem3A_146 = arith.remsi %sub3A_104, %rem3A_145 : vector<16xi32>
      %ne3A_147 = arith.constant 0 : i32
      %ne3A_148 = vector.broadcast %ne3A_147 : i32 to vector<16xi32>
      %ne3A_149 = arith.cmpi ne, %rem3A_146, %ne3A_148 : vector<16xi32>
      %lt3A_150 = arith.constant 0 : i32
      %lt3A_151 = vector.broadcast %lt3A_150 : i32 to vector<16xi32>
      %lt3A_152 = arith.cmpi slt, %rem3A_146, %lt3A_151 : vector<16xi32>
      %lt3A_153 = arith.constant 0 : i32
      %lt3A_154 = arith.cmpi slt, %select_n3A_144, %lt3A_153 : i32
      %ne3A_155 = vector.broadcast %lt3A_154 : i1 to vector<16xi1>
      %ne3A_156 = vector.broadcast %ne3A_155 : vector<16xi1> to vector<16xi1>
      %ne3A_157 = arith.xori %lt3A_152, %ne3A_156 : vector<16xi1>
      %and3A_158 = arith.andi %ne3A_157, %ne3A_149 : vector<16xi1>
      %add3A_159 = vector.broadcast %select_n3A_144 : i32 to vector<16xi32>
      %add3A_160 = arith.addi %rem3A_146, %add3A_159 : vector<16xi32>
      %select_n3A_161 = arith.select %and3A_158, %add3A_160, %rem3A_146 : vector<16xi1>, vector<16xi32>
      %mul3A_162 = arith.constant 6400 : i32
      %mul3A_163 = arith.muli %arg0, %mul3A_162 : i32
      %add3A_164 = arith.addi %mul3A_163, %reduce_sum3A_20 : i32
      %add3A_165 = vector.broadcast %add3A_164 : i32 to vector<16xi32>
      %add3A_166 = arith.addi %add3A_165, %sub3A_104 : vector<16xi32>
      tpu.vector_store_idx %arg18[%select_n3A_139, %select_n3A_161], %add3A_166 masked %or3A : memref<38x128xi32, #tpu.memory_space<vmem>>[vector<16xi32>, vector<16xi32>], vector<16xi32>, vector<16xi1>
      %reduce_sum3A_167 = arith.constant true
      %reduce_sum3A_168 = vector.broadcast %reduce_sum3A_167 : i1 to vector<16xi1>
      %reduce_sum3A_169 = tpu.scan <sum>, %convert_element_type3A masked %reduce_sum3A_168 : vector<16xi32>, vector<16xi1> -> vector<16xi32>
      %reduce_sum3A_170 = vector.extract %reduce_sum3A_169[15] : i32 from vector<16xi32>
      %add3A_171 = arith.addi %scan3A_85, %reduce_sum3A_170 : i32
      scf.yield %add3A_171 : i32
    }
    %scan3A_52 = arith.constant 300 : i32
    %add3A_53 = arith.constant 127 : i32
    %add3A_54 = arith.addi %reduce_sum3A_28, %add3A_53 : i32
    %jit3A_55 = arith.constant 128 : i32
    %div3A = arith.divsi %add3A_54, %jit3A_55 : i32
    %sign3A = arith.constant 0 : i32
    %sign3A_56 = arith.cmpi sgt, %add3A_54, %sign3A : i32
    %sign3A_57 = arith.extui %sign3A_56 : i1 to i32
    %sign3A_58 = arith.constant 0 : i32
    %sign3A_59 = arith.cmpi slt, %add3A_54, %sign3A_58 : i32
    %sign3A_60 = arith.extui %sign3A_59 : i1 to i32
    %sign3A_61 = arith.subi %sign3A_57, %sign3A_60 : i32
    %sign3A_62 = arith.constant 0 : i32
    %sign3A_63 = arith.cmpi sgt, %jit3A_55, %sign3A_62 : i32
    %sign3A_64 = arith.extui %sign3A_63 : i1 to i32
    %sign3A_65 = arith.constant 0 : i32
    %sign3A_66 = arith.cmpi slt, %jit3A_55, %sign3A_65 : i32
    %sign3A_67 = arith.extui %sign3A_66 : i1 to i32
    %sign3A_68 = arith.subi %sign3A_64, %sign3A_67 : i32
    %ne3A = arith.cmpi ne, %sign3A_61, %sign3A_68 : i32
    %rem3A = arith.remsi %add3A_54, %jit3A_55 : i32
    %ne3A_69 = arith.constant 0 : i32
    %ne3A_70 = arith.cmpi ne, %rem3A, %ne3A_69 : i32
    %and3A = arith.andi %ne3A, %ne3A_70 : i1
    %sub3A = arith.constant 1 : i32
    %sub3A_71 = arith.subi %div3A, %sub3A : i32
    %select_n3A_72 = arith.select %and3A, %sub3A_71, %div3A : i32
    %while3A = arith.constant 0 : i32
    %while3A_73 = arith.constant 0 : i32
    %while3A_74 = arith.subi %select_n3A_72, %while3A : i32
    %while3A_75 = arith.addi %while3A, %while3A_74 : i32
    %while3A_76 = arith.constant 1 : i32
    %while3A_77 = arith.divsi %while3A_74, %while3A_76 : i32
    %while3A_78 = arith.muli %while3A_77, %while3A_76 : i32
    %while3A_79 = arith.addi %while3A, %while3A_78 : i32
    %while3A_80 = arith.constant 1 : i32
    %while3A_81 = scf.for %while3A_84 = %while3A to %while3A_79 step %while3A_80 iter_args(%while3A_85 = %while3A_73) -> (i32)  : i32 {
      %mul3A_86 = arith.constant 128 : i32
      %mul3A_87 = arith.muli %while3A_84, %mul3A_86 : i32
      %dma_start3A = tpu.memref_slice %arg17[%mul3A_87] : memref<4864xi32, #tpu.memory_space<vmem>> -> memref<128xi32, #tpu.memory_space<vmem>>
      %dma_start3A_88 = arith.constant 0 : i32
      %dma_start3A_89 = tpu.memref_slice %arg3[%dma_start3A_88] : memref<153600xf32, #tpu.memory_space<hbm>> -> memref<153600xf32, #tpu.memory_space<hbm>>
      tpu.enqueue_indirect_dma source(%dma_start3A_89 : memref<153600xf32, #tpu.memory_space<hbm>>) target(%arg19 : memref<128xf32, #tpu.memory_space<vmem>>) offsets(%dma_start3A : memref<128xi32, #tpu.memory_space<vmem>>) semaphore(%arg24 : memref<!tpu.dma_semaphore, #tpu.memory_space<semaphore_mem>>)
      %dma_start3A_90 = tpu.memref_slice %arg17[%mul3A_87] : memref<4864xi32, #tpu.memory_space<vmem>> -> memref<128xi32, #tpu.memory_space<vmem>>
      %dma_start3A_91 = arith.constant 0 : i32
      %dma_start3A_92 = tpu.memref_slice %arg4[%dma_start3A_91] : memref<153600xf32, #tpu.memory_space<hbm>> -> memref<153600xf32, #tpu.memory_space<hbm>>
      tpu.enqueue_indirect_dma source(%dma_start3A_92 : memref<153600xf32, #tpu.memory_space<hbm>>) target(%arg20 : memref<128xf32, #tpu.memory_space<vmem>>) offsets(%dma_start3A_90 : memref<128xi32, #tpu.memory_space<vmem>>) semaphore(%arg24 : memref<!tpu.dma_semaphore, #tpu.memory_space<semaphore_mem>>)
      %dma_start3A_93 = tpu.memref_slice %arg17[%mul3A_87] : memref<4864xi32, #tpu.memory_space<vmem>> -> memref<128xi32, #tpu.memory_space<vmem>>
      %dma_start3A_94 = arith.constant 0 : i32
      %dma_start3A_95 = tpu.memref_slice %arg5[%dma_start3A_94] : memref<153600xf32, #tpu.memory_space<hbm>> -> memref<153600xf32, #tpu.memory_space<hbm>>
      tpu.enqueue_indirect_dma source(%dma_start3A_95 : memref<153600xf32, #tpu.memory_space<hbm>>) target(%arg21 : memref<128xf32, #tpu.memory_space<vmem>>) offsets(%dma_start3A_93 : memref<128xi32, #tpu.memory_space<vmem>>) semaphore(%arg24 : memref<!tpu.dma_semaphore, #tpu.memory_space<semaphore_mem>>)
      %dma_start3A_96 = tpu.memref_slice %arg17[%mul3A_87] : memref<4864xi32, #tpu.memory_space<vmem>> -> memref<128xi32, #tpu.memory_space<vmem>>
      %dma_start3A_97 = arith.constant 0 : i32
      %dma_start3A_98 = tpu.memref_slice %arg6[%dma_start3A_97] : memref<153600xf32, #tpu.memory_space<hbm>> -> memref<153600xf32, #tpu.memory_space<hbm>>
      tpu.enqueue_indirect_dma source(%dma_start3A_98 : memref<153600xf32, #tpu.memory_space<hbm>>) target(%arg22 : memref<128xf32, #tpu.memory_space<vmem>>) offsets(%dma_start3A_96 : memref<128xi32, #tpu.memory_space<vmem>>) semaphore(%arg24 : memref<!tpu.dma_semaphore, #tpu.memory_space<semaphore_mem>>)
      %dma_start3A_99 = tpu.memref_slice %arg17[%mul3A_87] : memref<4864xi32, #tpu.memory_space<vmem>> -> memref<128xi32, #tpu.memory_space<vmem>>
      %dma_start3A_100 = arith.constant 0 : i32
      %dma_start3A_101 = tpu.memref_slice %arg2[%dma_start3A_100] : memref<153600xf32, #tpu.memory_space<hbm>> -> memref<153600xf32, #tpu.memory_space<hbm>>
      tpu.enqueue_indirect_dma source(%dma_start3A_101 : memref<153600xf32, #tpu.memory_space<hbm>>) target(%arg23 : memref<128xf32, #tpu.memory_space<vmem>>) offsets(%dma_start3A_99 : memref<128xi32, #tpu.memory_space<vmem>>) semaphore(%arg24 : memref<!tpu.dma_semaphore, #tpu.memory_space<semaphore_mem>>)
      %dma_wait3A = tpu.memref_slice %arg17[%mul3A_87] : memref<4864xi32, #tpu.memory_space<vmem>> -> memref<128xi32, #tpu.memory_space<vmem>>
      %dma_wait3A_102 = arith.constant 0 : i32
      %dma_wait3A_103 = tpu.memref_slice %arg3[%dma_wait3A_102] : memref<153600xf32, #tpu.memory_space<hbm>> -> memref<153600xf32, #tpu.memory_space<hbm>>
      tpu.wait_indirect_dma semaphore(%arg24 : memref<!tpu.dma_semaphore, #tpu.memory_space<semaphore_mem>>) src(%dma_wait3A_103 : memref<153600xf32, #tpu.memory_space<hbm>>) dst(%arg19 : memref<128xf32, #tpu.memory_space<vmem>>)
      %dma_wait3A_104 = tpu.memref_slice %arg17[%mul3A_87] : memref<4864xi32, #tpu.memory_space<vmem>> -> memref<128xi32, #tpu.memory_space<vmem>>
      %dma_wait3A_105 = arith.constant 0 : i32
      %dma_wait3A_106 = tpu.memref_slice %arg4[%dma_wait3A_105] : memref<153600xf32, #tpu.memory_space<hbm>> -> memref<153600xf32, #tpu.memory_space<hbm>>
      tpu.wait_indirect_dma semaphore(%arg24 : memref<!tpu.dma_semaphore, #tpu.memory_space<semaphore_mem>>) src(%dma_wait3A_106 : memref<153600xf32, #tpu.memory_space<hbm>>) dst(%arg20 : memref<128xf32, #tpu.memory_space<vmem>>)
      %dma_wait3A_107 = tpu.memref_slice %arg17[%mul3A_87] : memref<4864xi32, #tpu.memory_space<vmem>> -> memref<128xi32, #tpu.memory_space<vmem>>
      %dma_wait3A_108 = arith.constant 0 : i32
      %dma_wait3A_109 = tpu.memref_slice %arg5[%dma_wait3A_108] : memref<153600xf32, #tpu.memory_space<hbm>> -> memref<153600xf32, #tpu.memory_space<hbm>>
      tpu.wait_indirect_dma semaphore(%arg24 : memref<!tpu.dma_semaphore, #tpu.memory_space<semaphore_mem>>) src(%dma_wait3A_109 : memref<153600xf32, #tpu.memory_space<hbm>>) dst(%arg21 : memref<128xf32, #tpu.memory_space<vmem>>)
      %dma_wait3A_110 = tpu.memref_slice %arg17[%mul3A_87] : memref<4864xi32, #tpu.memory_space<vmem>> -> memref<128xi32, #tpu.memory_space<vmem>>
      %dma_wait3A_111 = arith.constant 0 : i32
      %dma_wait3A_112 = tpu.memref_slice %arg6[%dma_wait3A_111] : memref<153600xf32, #tpu.memory_space<hbm>> -> memref<153600xf32, #tpu.memory_space<hbm>>
      tpu.wait_indirect_dma semaphore(%arg24 : memref<!tpu.dma_semaphore, #tpu.memory_space<semaphore_mem>>) src(%dma_wait3A_112 : memref<153600xf32, #tpu.memory_space<hbm>>) dst(%arg22 : memref<128xf32, #tpu.memory_space<vmem>>)
      %dma_wait3A_113 = tpu.memref_slice %arg17[%mul3A_87] : memref<4864xi32, #tpu.memory_space<vmem>> -> memref<128xi32, #tpu.memory_space<vmem>>
      %dma_wait3A_114 = arith.constant 0 : i32
      %dma_wait3A_115 = tpu.memref_slice %arg2[%dma_wait3A_114] : memref<153600xf32, #tpu.memory_space<hbm>> -> memref<153600xf32, #tpu.memory_space<hbm>>
      tpu.wait_indirect_dma semaphore(%arg24 : memref<!tpu.dma_semaphore, #tpu.memory_space<semaphore_mem>>) src(%dma_wait3A_115 : memref<153600xf32, #tpu.memory_space<hbm>>) dst(%arg23 : memref<128xf32, #tpu.memory_space<vmem>>)
      %dma_start3A_116 = arith.constant 0 : i32
      %dma_start3A_117 = tpu.memref_slice %arg18[%while3A_84, %dma_start3A_116] : memref<38x128xi32, #tpu.memory_space<vmem>> -> memref<1x128xi32, #tpu.memory_space<vmem>>
      %dma_start3A_118 = tpu.memref_squeeze %dma_start3A_117 : memref<1x128xi32, #tpu.memory_space<vmem>> -> memref<128xi32, #tpu.memory_space<vmem>>
      %dma_start3A_119 = arith.constant 0 : i32
      %dma_start3A_120 = tpu.memref_slice %arg8[%dma_start3A_119] : memref<12800xf32, #tpu.memory_space<hbm>> -> memref<12800xf32, #tpu.memory_space<hbm>>
      tpu.enqueue_indirect_dma source(%arg19 : memref<128xf32, #tpu.memory_space<vmem>>) target(%dma_start3A_120 : memref<12800xf32, #tpu.memory_space<hbm>>) offsets(%dma_start3A_118 : memref<128xi32, #tpu.memory_space<vmem>>) semaphore(%arg25 : memref<!tpu.dma_semaphore, #tpu.memory_space<semaphore_mem>>)
      %dma_start3A_121 = arith.constant 0 : i32
      %dma_start3A_122 = tpu.memref_slice %arg18[%while3A_84, %dma_start3A_121] : memref<38x128xi32, #tpu.memory_space<vmem>> -> memref<1x128xi32, #tpu.memory_space<vmem>>
      %dma_start3A_123 = tpu.memref_squeeze %dma_start3A_122 : memref<1x128xi32, #tpu.memory_space<vmem>> -> memref<128xi32, #tpu.memory_space<vmem>>
      %dma_start3A_124 = arith.constant 0 : i32
      %dma_start3A_125 = tpu.memref_slice %arg9[%dma_start3A_124] : memref<12800xf32, #tpu.memory_space<hbm>> -> memref<12800xf32, #tpu.memory_space<hbm>>
      tpu.enqueue_indirect_dma source(%arg20 : memref<128xf32, #tpu.memory_space<vmem>>) target(%dma_start3A_125 : memref<12800xf32, #tpu.memory_space<hbm>>) offsets(%dma_start3A_123 : memref<128xi32, #tpu.memory_space<vmem>>) semaphore(%arg25 : memref<!tpu.dma_semaphore, #tpu.memory_space<semaphore_mem>>)
      %dma_start3A_126 = arith.constant 0 : i32
      %dma_start3A_127 = tpu.memref_slice %arg18[%while3A_84, %dma_start3A_126] : memref<38x128xi32, #tpu.memory_space<vmem>> -> memref<1x128xi32, #tpu.memory_space<vmem>>
      %dma_start3A_128 = tpu.memref_squeeze %dma_start3A_127 : memref<1x128xi32, #tpu.memory_space<vmem>> -> memref<128xi32, #tpu.memory_space<vmem>>
      %dma_start3A_129 = arith.constant 0 : i32
      %dma_start3A_130 = tpu.memref_slice %arg10[%dma_start3A_129] : memref<12800xf32, #tpu.memory_space<hbm>> -> memref<12800xf32, #tpu.memory_space<hbm>>
      tpu.enqueue_indirect_dma source(%arg21 : memref<128xf32, #tpu.memory_space<vmem>>) target(%dma_start3A_130 : memref<12800xf32, #tpu.memory_space<hbm>>) offsets(%dma_start3A_128 : memref<128xi32, #tpu.memory_space<vmem>>) semaphore(%arg25 : memref<!tpu.dma_semaphore, #tpu.memory_space<semaphore_mem>>)
      %dma_start3A_131 = arith.constant 0 : i32
      %dma_start3A_132 = tpu.memref_slice %arg18[%while3A_84, %dma_start3A_131] : memref<38x128xi32, #tpu.memory_space<vmem>> -> memref<1x128xi32, #tpu.memory_space<vmem>>
      %dma_start3A_133 = tpu.memref_squeeze %dma_start3A_132 : memref<1x128xi32, #tpu.memory_space<vmem>> -> memref<128xi32, #tpu.memory_space<vmem>>
      %dma_start3A_134 = arith.constant 0 : i32
      %dma_start3A_135 = tpu.memref_slice %arg11[%dma_start3A_134] : memref<12800xf32, #tpu.memory_space<hbm>> -> memref<12800xf32, #tpu.memory_space<hbm>>
      tpu.enqueue_indirect_dma source(%arg22 : memref<128xf32, #tpu.memory_space<vmem>>) target(%dma_start3A_135 : memref<12800xf32, #tpu.memory_space<hbm>>) offsets(%dma_start3A_133 : memref<128xi32, #tpu.memory_space<vmem>>) semaphore(%arg25 : memref<!tpu.dma_semaphore, #tpu.memory_space<semaphore_mem>>)
      %dma_start3A_136 = arith.constant 0 : i32
      %dma_start3A_137 = tpu.memref_slice %arg18[%while3A_84, %dma_start3A_136] : memref<38x128xi32, #tpu.memory_space<vmem>> -> memref<1x128xi32, #tpu.memory_space<vmem>>
      %dma_start3A_138 = tpu.memref_squeeze %dma_start3A_137 : memref<1x128xi32, #tpu.memory_space<vmem>> -> memref<128xi32, #tpu.memory_space<vmem>>
      %dma_start3A_139 = arith.constant 0 : i32
      %dma_start3A_140 = tpu.memref_slice %arg12[%dma_start3A_139] : memref<12800xf32, #tpu.memory_space<hbm>> -> memref<12800xf32, #tpu.memory_space<hbm>>
      tpu.enqueue_indirect_dma source(%arg23 : memref<128xf32, #tpu.memory_space<vmem>>) target(%dma_start3A_140 : memref<12800xf32, #tpu.memory_space<hbm>>) offsets(%dma_start3A_138 : memref<128xi32, #tpu.memory_space<vmem>>) semaphore(%arg25 : memref<!tpu.dma_semaphore, #tpu.memory_space<semaphore_mem>>)
      %dma_wait3A_141 = arith.constant 0 : i32
      %dma_wait3A_142 = tpu.memref_slice %arg18[%while3A_84, %dma_wait3A_141] : memref<38x128xi32, #tpu.memory_space<vmem>> -> memref<1x128xi32, #tpu.memory_space<vmem>>
      %dma_wait3A_143 = tpu.memref_squeeze %dma_wait3A_142 : memref<1x128xi32, #tpu.memory_space<vmem>> -> memref<128xi32, #tpu.memory_space<vmem>>
      %dma_wait3A_144 = arith.constant 0 : i32
      %dma_wait3A_145 = tpu.memref_slice %arg8[%dma_wait3A_144] : memref<12800xf32, #tpu.memory_space<hbm>> -> memref<12800xf32, #tpu.memory_space<hbm>>
      tpu.wait_indirect_dma semaphore(%arg25 : memref<!tpu.dma_semaphore, #tpu.memory_space<semaphore_mem>>) src(%arg19 : memref<128xf32, #tpu.memory_space<vmem>>) dst(%dma_wait3A_145 : memref<12800xf32, #tpu.memory_space<hbm>>)
      %dma_wait3A_146 = arith.constant 0 : i32
      %dma_wait3A_147 = tpu.memref_slice %arg18[%while3A_84, %dma_wait3A_146] : memref<38x128xi32, #tpu.memory_space<vmem>> -> memref<1x128xi32, #tpu.memory_space<vmem>>
      %dma_wait3A_148 = tpu.memref_squeeze %dma_wait3A_147 : memref<1x128xi32, #tpu.memory_space<vmem>> -> memref<128xi32, #tpu.memory_space<vmem>>
      %dma_wait3A_149 = arith.constant 0 : i32
      %dma_wait3A_150 = tpu.memref_slice %arg9[%dma_wait3A_149] : memref<12800xf32, #tpu.memory_space<hbm>> -> memref<12800xf32, #tpu.memory_space<hbm>>
      tpu.wait_indirect_dma semaphore(%arg25 : memref<!tpu.dma_semaphore, #tpu.memory_space<semaphore_mem>>) src(%arg20 : memref<128xf32, #tpu.memory_space<vmem>>) dst(%dma_wait3A_150 : memref<12800xf32, #tpu.memory_space<hbm>>)
      %dma_wait3A_151 = arith.constant 0 : i32
      %dma_wait3A_152 = tpu.memref_slice %arg18[%while3A_84, %dma_wait3A_151] : memref<38x128xi32, #tpu.memory_space<vmem>> -> memref<1x128xi32, #tpu.memory_space<vmem>>
      %dma_wait3A_153 = tpu.memref_squeeze %dma_wait3A_152 : memref<1x128xi32, #tpu.memory_space<vmem>> -> memref<128xi32, #tpu.memory_space<vmem>>
      %dma_wait3A_154 = arith.constant 0 : i32
      %dma_wait3A_155 = tpu.memref_slice %arg10[%dma_wait3A_154] : memref<12800xf32, #tpu.memory_space<hbm>> -> memref<12800xf32, #tpu.memory_space<hbm>>
      tpu.wait_indirect_dma semaphore(%arg25 : memref<!tpu.dma_semaphore, #tpu.memory_space<semaphore_mem>>) src(%arg21 : memref<128xf32, #tpu.memory_space<vmem>>) dst(%dma_wait3A_155 : memref<12800xf32, #tpu.memory_space<hbm>>)
      %dma_wait3A_156 = arith.constant 0 : i32
      %dma_wait3A_157 = tpu.memref_slice %arg18[%while3A_84, %dma_wait3A_156] : memref<38x128xi32, #tpu.memory_space<vmem>> -> memref<1x128xi32, #tpu.memory_space<vmem>>
      %dma_wait3A_158 = tpu.memref_squeeze %dma_wait3A_157 : memref<1x128xi32, #tpu.memory_space<vmem>> -> memref<128xi32, #tpu.memory_space<vmem>>
      %dma_wait3A_159 = arith.constant 0 : i32
      %dma_wait3A_160 = tpu.memref_slice %arg11[%dma_wait3A_159] : memref<12800xf32, #tpu.memory_space<hbm>> -> memref<12800xf32, #tpu.memory_space<hbm>>
      tpu.wait_indirect_dma semaphore(%arg25 : memref<!tpu.dma_semaphore, #tpu.memory_space<semaphore_mem>>) src(%arg22 : memref<128xf32, #tpu.memory_space<vmem>>) dst(%dma_wait3A_160 : memref<12800xf32, #tpu.memory_space<hbm>>)
      %dma_wait3A_161 = arith.constant 0 : i32
      %dma_wait3A_162 = tpu.memref_slice %arg18[%while3A_84, %dma_wait3A_161] : memref<38x128xi32, #tpu.memory_space<vmem>> -> memref<1x128xi32, #tpu.memory_space<vmem>>
      %dma_wait3A_163 = tpu.memref_squeeze %dma_wait3A_162 : memref<1x128xi32, #tpu.memory_space<vmem>> -> memref<128xi32, #tpu.memory_space<vmem>>
      %dma_wait3A_164 = arith.constant 0 : i32
      %dma_wait3A_165 = tpu.memref_slice %arg12[%dma_wait3A_164] : memref<12800xf32, #tpu.memory_space<hbm>> -> memref<12800xf32, #tpu.memory_space<hbm>>
      tpu.wait_indirect_dma semaphore(%arg25 : memref<!tpu.dma_semaphore, #tpu.memory_space<semaphore_mem>>) src(%arg23 : memref<128xf32, #tpu.memory_space<vmem>>) dst(%dma_wait3A_165 : memref<12800xf32, #tpu.memory_space<hbm>>)
      %while3A_166 = arith.constant 0 : i32
      scf.yield %while3A_166 : i32
    }
    %while3A_82 = arith.constant 1 : i32
    %while3A_83 = scf.for %while3A_84 = %while3A_79 to %while3A_75 step %while3A_82 iter_args(%while3A_85 = %while3A_81) -> (i32)  : i32 {
      %mul3A_86 = arith.constant 128 : i32
      %mul3A_87 = arith.muli %while3A_84, %mul3A_86 : i32
      %dma_start3A = tpu.memref_slice %arg17[%mul3A_87] : memref<4864xi32, #tpu.memory_space<vmem>> -> memref<128xi32, #tpu.memory_space<vmem>>
      %dma_start3A_88 = arith.constant 0 : i32
      %dma_start3A_89 = tpu.memref_slice %arg3[%dma_start3A_88] : memref<153600xf32, #tpu.memory_space<hbm>> -> memref<153600xf32, #tpu.memory_space<hbm>>
      tpu.enqueue_indirect_dma source(%dma_start3A_89 : memref<153600xf32, #tpu.memory_space<hbm>>) target(%arg19 : memref<128xf32, #tpu.memory_space<vmem>>) offsets(%dma_start3A : memref<128xi32, #tpu.memory_space<vmem>>) semaphore(%arg24 : memref<!tpu.dma_semaphore, #tpu.memory_space<semaphore_mem>>)
      %dma_start3A_90 = tpu.memref_slice %arg17[%mul3A_87] : memref<4864xi32, #tpu.memory_space<vmem>> -> memref<128xi32, #tpu.memory_space<vmem>>
      %dma_start3A_91 = arith.constant 0 : i32
      %dma_start3A_92 = tpu.memref_slice %arg4[%dma_start3A_91] : memref<153600xf32, #tpu.memory_space<hbm>> -> memref<153600xf32, #tpu.memory_space<hbm>>
      tpu.enqueue_indirect_dma source(%dma_start3A_92 : memref<153600xf32, #tpu.memory_space<hbm>>) target(%arg20 : memref<128xf32, #tpu.memory_space<vmem>>) offsets(%dma_start3A_90 : memref<128xi32, #tpu.memory_space<vmem>>) semaphore(%arg24 : memref<!tpu.dma_semaphore, #tpu.memory_space<semaphore_mem>>)
      %dma_start3A_93 = tpu.memref_slice %arg17[%mul3A_87] : memref<4864xi32, #tpu.memory_space<vmem>> -> memref<128xi32, #tpu.memory_space<vmem>>
      %dma_start3A_94 = arith.constant 0 : i32
      %dma_start3A_95 = tpu.memref_slice %arg5[%dma_start3A_94] : memref<153600xf32, #tpu.memory_space<hbm>> -> memref<153600xf32, #tpu.memory_space<hbm>>
      tpu.enqueue_indirect_dma source(%dma_start3A_95 : memref<153600xf32, #tpu.memory_space<hbm>>) target(%arg21 : memref<128xf32, #tpu.memory_space<vmem>>) offsets(%dma_start3A_93 : memref<128xi32, #tpu.memory_space<vmem>>) semaphore(%arg24 : memref<!tpu.dma_semaphore, #tpu.memory_space<semaphore_mem>>)
      %dma_start3A_96 = tpu.memref_slice %arg17[%mul3A_87] : memref<4864xi32, #tpu.memory_space<vmem>> -> memref<128xi32, #tpu.memory_space<vmem>>
      %dma_start3A_97 = arith.constant 0 : i32
      %dma_start3A_98 = tpu.memref_slice %arg6[%dma_start3A_97] : memref<153600xf32, #tpu.memory_space<hbm>> -> memref<153600xf32, #tpu.memory_space<hbm>>
      tpu.enqueue_indirect_dma source(%dma_start3A_98 : memref<153600xf32, #tpu.memory_space<hbm>>) target(%arg22 : memref<128xf32, #tpu.memory_space<vmem>>) offsets(%dma_start3A_96 : memref<128xi32, #tpu.memory_space<vmem>>) semaphore(%arg24 : memref<!tpu.dma_semaphore, #tpu.memory_space<semaphore_mem>>)
      %dma_start3A_99 = tpu.memref_slice %arg17[%mul3A_87] : memref<4864xi32, #tpu.memory_space<vmem>> -> memref<128xi32, #tpu.memory_space<vmem>>
      %dma_start3A_100 = arith.constant 0 : i32
      %dma_start3A_101 = tpu.memref_slice %arg2[%dma_start3A_100] : memref<153600xf32, #tpu.memory_space<hbm>> -> memref<153600xf32, #tpu.memory_space<hbm>>
      tpu.enqueue_indirect_dma source(%dma_start3A_101 : memref<153600xf32, #tpu.memory_space<hbm>>) target(%arg23 : memref<128xf32, #tpu.memory_space<vmem>>) offsets(%dma_start3A_99 : memref<128xi32, #tpu.memory_space<vmem>>) semaphore(%arg24 : memref<!tpu.dma_semaphore, #tpu.memory_space<semaphore_mem>>)
      %dma_wait3A = tpu.memref_slice %arg17[%mul3A_87] : memref<4864xi32, #tpu.memory_space<vmem>> -> memref<128xi32, #tpu.memory_space<vmem>>
      %dma_wait3A_102 = arith.constant 0 : i32
      %dma_wait3A_103 = tpu.memref_slice %arg3[%dma_wait3A_102] : memref<153600xf32, #tpu.memory_space<hbm>> -> memref<153600xf32, #tpu.memory_space<hbm>>
      tpu.wait_indirect_dma semaphore(%arg24 : memref<!tpu.dma_semaphore, #tpu.memory_space<semaphore_mem>>) src(%dma_wait3A_103 : memref<153600xf32, #tpu.memory_space<hbm>>) dst(%arg19 : memref<128xf32, #tpu.memory_space<vmem>>)
      %dma_wait3A_104 = tpu.memref_slice %arg17[%mul3A_87] : memref<4864xi32, #tpu.memory_space<vmem>> -> memref<128xi32, #tpu.memory_space<vmem>>
      %dma_wait3A_105 = arith.constant 0 : i32
      %dma_wait3A_106 = tpu.memref_slice %arg4[%dma_wait3A_105] : memref<153600xf32, #tpu.memory_space<hbm>> -> memref<153600xf32, #tpu.memory_space<hbm>>
      tpu.wait_indirect_dma semaphore(%arg24 : memref<!tpu.dma_semaphore, #tpu.memory_space<semaphore_mem>>) src(%dma_wait3A_106 : memref<153600xf32, #tpu.memory_space<hbm>>) dst(%arg20 : memref<128xf32, #tpu.memory_space<vmem>>)
      %dma_wait3A_107 = tpu.memref_slice %arg17[%mul3A_87] : memref<4864xi32, #tpu.memory_space<vmem>> -> memref<128xi32, #tpu.memory_space<vmem>>
      %dma_wait3A_108 = arith.constant 0 : i32
      %dma_wait3A_109 = tpu.memref_slice %arg5[%dma_wait3A_108] : memref<153600xf32, #tpu.memory_space<hbm>> -> memref<153600xf32, #tpu.memory_space<hbm>>
      tpu.wait_indirect_dma semaphore(%arg24 : memref<!tpu.dma_semaphore, #tpu.memory_space<semaphore_mem>>) src(%dma_wait3A_109 : memref<153600xf32, #tpu.memory_space<hbm>>) dst(%arg21 : memref<128xf32, #tpu.memory_space<vmem>>)
      %dma_wait3A_110 = tpu.memref_slice %arg17[%mul3A_87] : memref<4864xi32, #tpu.memory_space<vmem>> -> memref<128xi32, #tpu.memory_space<vmem>>
      %dma_wait3A_111 = arith.constant 0 : i32
      %dma_wait3A_112 = tpu.memref_slice %arg6[%dma_wait3A_111] : memref<153600xf32, #tpu.memory_space<hbm>> -> memref<153600xf32, #tpu.memory_space<hbm>>
      tpu.wait_indirect_dma semaphore(%arg24 : memref<!tpu.dma_semaphore, #tpu.memory_space<semaphore_mem>>) src(%dma_wait3A_112 : memref<153600xf32, #tpu.memory_space<hbm>>) dst(%arg22 : memref<128xf32, #tpu.memory_space<vmem>>)
      %dma_wait3A_113 = tpu.memref_slice %arg17[%mul3A_87] : memref<4864xi32, #tpu.memory_space<vmem>> -> memref<128xi32, #tpu.memory_space<vmem>>
      %dma_wait3A_114 = arith.constant 0 : i32
      %dma_wait3A_115 = tpu.memref_slice %arg2[%dma_wait3A_114] : memref<153600xf32, #tpu.memory_space<hbm>> -> memref<153600xf32, #tpu.memory_space<hbm>>
      tpu.wait_indirect_dma semaphore(%arg24 : memref<!tpu.dma_semaphore, #tpu.memory_space<semaphore_mem>>) src(%dma_wait3A_115 : memref<153600xf32, #tpu.memory_space<hbm>>) dst(%arg23 : memref<128xf32, #tpu.memory_space<vmem>>)
      %dma_start3A_116 = arith.constant 0 : i32
      %dma_start3A_117 = tpu.memref_slice %arg18[%while3A_84, %dma_start3A_116] : memref<38x128xi32, #tpu.memory_space<vmem>> -> memref<1x128xi32, #tpu.memory_space<vmem>>
      %dma_start3A_118 = tpu.memref_squeeze %dma_start3A_117 : memref<1x128xi32, #tpu.memory_space<vmem>> -> memref<128xi32, #tpu.memory_space<vmem>>
      %dma_start3A_119 = arith.constant 0 : i32
      %dma_start3A_120 = tpu.memref_slice %arg8[%dma_start3A_119] : memref<12800xf32, #tpu.memory_space<hbm>> -> memref<12800xf32, #tpu.memory_space<hbm>>
      tpu.enqueue_indirect_dma source(%arg19 : memref<128xf32, #tpu.memory_space<vmem>>) target(%dma_start3A_120 : memref<12800xf32, #tpu.memory_space<hbm>>) offsets(%dma_start3A_118 : memref<128xi32, #tpu.memory_space<vmem>>) semaphore(%arg25 : memref<!tpu.dma_semaphore, #tpu.memory_space<semaphore_mem>>)
      %dma_start3A_121 = arith.constant 0 : i32
      %dma_start3A_122 = tpu.memref_slice %arg18[%while3A_84, %dma_start3A_121] : memref<38x128xi32, #tpu.memory_space<vmem>> -> memref<1x128xi32, #tpu.memory_space<vmem>>
      %dma_start3A_123 = tpu.memref_squeeze %dma_start3A_122 : memref<1x128xi32, #tpu.memory_space<vmem>> -> memref<128xi32, #tpu.memory_space<vmem>>
      %dma_start3A_124 = arith.constant 0 : i32
      %dma_start3A_125 = tpu.memref_slice %arg9[%dma_start3A_124] : memref<12800xf32, #tpu.memory_space<hbm>> -> memref<12800xf32, #tpu.memory_space<hbm>>
      tpu.enqueue_indirect_dma source(%arg20 : memref<128xf32, #tpu.memory_space<vmem>>) target(%dma_start3A_125 : memref<12800xf32, #tpu.memory_space<hbm>>) offsets(%dma_start3A_123 : memref<128xi32, #tpu.memory_space<vmem>>) semaphore(%arg25 : memref<!tpu.dma_semaphore, #tpu.memory_space<semaphore_mem>>)
      %dma_start3A_126 = arith.constant 0 : i32
      %dma_start3A_127 = tpu.memref_slice %arg18[%while3A_84, %dma_start3A_126] : memref<38x128xi32, #tpu.memory_space<vmem>> -> memref<1x128xi32, #tpu.memory_space<vmem>>
      %dma_start3A_128 = tpu.memref_squeeze %dma_start3A_127 : memref<1x128xi32, #tpu.memory_space<vmem>> -> memref<128xi32, #tpu.memory_space<vmem>>
      %dma_start3A_129 = arith.constant 0 : i32
      %dma_start3A_130 = tpu.memref_slice %arg10[%dma_start3A_129] : memref<12800xf32, #tpu.memory_space<hbm>> -> memref<12800xf32, #tpu.memory_space<hbm>>
      tpu.enqueue_indirect_dma source(%arg21 : memref<128xf32, #tpu.memory_space<vmem>>) target(%dma_start3A_130 : memref<12800xf32, #tpu.memory_space<hbm>>) offsets(%dma_start3A_128 : memref<128xi32, #tpu.memory_space<vmem>>) semaphore(%arg25 : memref<!tpu.dma_semaphore, #tpu.memory_space<semaphore_mem>>)
      %dma_start3A_131 = arith.constant 0 : i32
      %dma_start3A_132 = tpu.memref_slice %arg18[%while3A_84, %dma_start3A_131] : memref<38x128xi32, #tpu.memory_space<vmem>> -> memref<1x128xi32, #tpu.memory_space<vmem>>
      %dma_start3A_133 = tpu.memref_squeeze %dma_start3A_132 : memref<1x128xi32, #tpu.memory_space<vmem>> -> memref<128xi32, #tpu.memory_space<vmem>>
      %dma_start3A_134 = arith.constant 0 : i32
      %dma_start3A_135 = tpu.memref_slice %arg11[%dma_start3A_134] : memref<12800xf32, #tpu.memory_space<hbm>> -> memref<12800xf32, #tpu.memory_space<hbm>>
      tpu.enqueue_indirect_dma source(%arg22 : memref<128xf32, #tpu.memory_space<vmem>>) target(%dma_start3A_135 : memref<12800xf32, #tpu.memory_space<hbm>>) offsets(%dma_start3A_133 : memref<128xi32, #tpu.memory_space<vmem>>) semaphore(%arg25 : memref<!tpu.dma_semaphore, #tpu.memory_space<semaphore_mem>>)
      %dma_start3A_136 = arith.constant 0 : i32
      %dma_start3A_137 = tpu.memref_slice %arg18[%while3A_84, %dma_start3A_136] : memref<38x128xi32, #tpu.memory_space<vmem>> -> memref<1x128xi32, #tpu.memory_space<vmem>>
      %dma_start3A_138 = tpu.memref_squeeze %dma_start3A_137 : memref<1x128xi32, #tpu.memory_space<vmem>> -> memref<128xi32, #tpu.memory_space<vmem>>
      %dma_start3A_139 = arith.constant 0 : i32
      %dma_start3A_140 = tpu.memref_slice %arg12[%dma_start3A_139] : memref<12800xf32, #tpu.memory_space<hbm>> -> memref<12800xf32, #tpu.memory_space<hbm>>
      tpu.enqueue_indirect_dma source(%arg23 : memref<128xf32, #tpu.memory_space<vmem>>) target(%dma_start3A_140 : memref<12800xf32, #tpu.memory_space<hbm>>) offsets(%dma_start3A_138 : memref<128xi32, #tpu.memory_space<vmem>>) semaphore(%arg25 : memref<!tpu.dma_semaphore, #tpu.memory_space<semaphore_mem>>)
      %dma_wait3A_141 = arith.constant 0 : i32
      %dma_wait3A_142 = tpu.memref_slice %arg18[%while3A_84, %dma_wait3A_141] : memref<38x128xi32, #tpu.memory_space<vmem>> -> memref<1x128xi32, #tpu.memory_space<vmem>>
      %dma_wait3A_143 = tpu.memref_squeeze %dma_wait3A_142 : memref<1x128xi32, #tpu.memory_space<vmem>> -> memref<128xi32, #tpu.memory_space<vmem>>
      %dma_wait3A_144 = arith.constant 0 : i32
      %dma_wait3A_145 = tpu.memref_slice %arg8[%dma_wait3A_144] : memref<12800xf32, #tpu.memory_space<hbm>> -> memref<12800xf32, #tpu.memory_space<hbm>>
      tpu.wait_indirect_dma semaphore(%arg25 : memref<!tpu.dma_semaphore, #tpu.memory_space<semaphore_mem>>) src(%arg19 : memref<128xf32, #tpu.memory_space<vmem>>) dst(%dma_wait3A_145 : memref<12800xf32, #tpu.memory_space<hbm>>)
      %dma_wait3A_146 = arith.constant 0 : i32
      %dma_wait3A_147 = tpu.memref_slice %arg18[%while3A_84, %dma_wait3A_146] : memref<38x128xi32, #tpu.memory_space<vmem>> -> memref<1x128xi32, #tpu.memory_space<vmem>>
      %dma_wait3A_148 = tpu.memref_squeeze %dma_wait3A_147 : memref<1x128xi32, #tpu.memory_space<vmem>> -> memref<128xi32, #tpu.memory_space<vmem>>
      %dma_wait3A_149 = arith.constant 0 : i32
      %dma_wait3A_150 = tpu.memref_slice %arg9[%dma_wait3A_149] : memref<12800xf32, #tpu.memory_space<hbm>> -> memref<12800xf32, #tpu.memory_space<hbm>>
      tpu.wait_indirect_dma semaphore(%arg25 : memref<!tpu.dma_semaphore, #tpu.memory_space<semaphore_mem>>) src(%arg20 : memref<128xf32, #tpu.memory_space<vmem>>) dst(%dma_wait3A_150 : memref<12800xf32, #tpu.memory_space<hbm>>)
      %dma_wait3A_151 = arith.constant 0 : i32
      %dma_wait3A_152 = tpu.memref_slice %arg18[%while3A_84, %dma_wait3A_151] : memref<38x128xi32, #tpu.memory_space<vmem>> -> memref<1x128xi32, #tpu.memory_space<vmem>>
      %dma_wait3A_153 = tpu.memref_squeeze %dma_wait3A_152 : memref<1x128xi32, #tpu.memory_space<vmem>> -> memref<128xi32, #tpu.memory_space<vmem>>
      %dma_wait3A_154 = arith.constant 0 : i32
      %dma_wait3A_155 = tpu.memref_slice %arg10[%dma_wait3A_154] : memref<12800xf32, #tpu.memory_space<hbm>> -> memref<12800xf32, #tpu.memory_space<hbm>>
      tpu.wait_indirect_dma semaphore(%arg25 : memref<!tpu.dma_semaphore, #tpu.memory_space<semaphore_mem>>) src(%arg21 : memref<128xf32, #tpu.memory_space<vmem>>) dst(%dma_wait3A_155 : memref<12800xf32, #tpu.memory_space<hbm>>)
      %dma_wait3A_156 = arith.constant 0 : i32
      %dma_wait3A_157 = tpu.memref_slice %arg18[%while3A_84, %dma_wait3A_156] : memref<38x128xi32, #tpu.memory_space<vmem>> -> memref<1x128xi32, #tpu.memory_space<vmem>>
      %dma_wait3A_158 = tpu.memref_squeeze %dma_wait3A_157 : memref<1x128xi32, #tpu.memory_space<vmem>> -> memref<128xi32, #tpu.memory_space<vmem>>
      %dma_wait3A_159 = arith.constant 0 : i32
      %dma_wait3A_160 = tpu.memref_slice %arg11[%dma_wait3A_159] : memref<12800xf32, #tpu.memory_space<hbm>> -> memref<12800xf32, #tpu.memory_space<hbm>>
      tpu.wait_indirect_dma semaphore(%arg25 : memref<!tpu.dma_semaphore, #tpu.memory_space<semaphore_mem>>) src(%arg22 : memref<128xf32, #tpu.memory_space<vmem>>) dst(%dma_wait3A_160 : memref<12800xf32, #tpu.memory_space<hbm>>)
      %dma_wait3A_161 = arith.constant 0 : i32
      %dma_wait3A_162 = tpu.memref_slice %arg18[%while3A_84, %dma_wait3A_161] : memref<38x128xi32, #tpu.memory_space<vmem>> -> memref<1x128xi32, #tpu.memory_space<vmem>>
      %dma_wait3A_163 = tpu.memref_squeeze %dma_wait3A_162 : memref<1x128xi32, #tpu.memory_space<vmem>> -> memref<128xi32, #tpu.memory_space<vmem>>
      %dma_wait3A_164 = arith.constant 0 : i32
      %dma_wait3A_165 = tpu.memref_slice %arg12[%dma_wait3A_164] : memref<12800xf32, #tpu.memory_space<hbm>> -> memref<12800xf32, #tpu.memory_space<hbm>>
      tpu.wait_indirect_dma semaphore(%arg25 : memref<!tpu.dma_semaphore, #tpu.memory_space<semaphore_mem>>) src(%arg23 : memref<128xf32, #tpu.memory_space<vmem>>) dst(%dma_wait3A_165 : memref<12800xf32, #tpu.memory_space<hbm>>)
      %while3A_166 = arith.constant 0 : i32
      scf.yield %while3A_166 : i32
    }
    return
  }
}

module attributes {stable_mosaic.version = 14 : i64} {
  func.func @_prep_body(%arg0: i32, %arg1: memref<1x600x128xf32, #tpu.memory_space<vmem>>, %arg2: memref<1x600x128xf32, #tpu.memory_space<vmem>>, %arg3: memref<1x600x128xf32, #tpu.memory_space<vmem>>, %arg4: memref<1x600x128xf32, #tpu.memory_space<vmem>>, %arg5: memref<1x600x128xf32, #tpu.memory_space<vmem>>, %arg6: memref<1x600x128xf32, #tpu.memory_space<vmem>>, %arg7: memref<1x600x128xf32, #tpu.memory_space<vmem>>, %arg8: memref<1x600x128xf32, #tpu.memory_space<vmem>>, %arg9: memref<1x600x128xf32, #tpu.memory_space<vmem>>, %arg10: memref<1x600x128xf32, #tpu.memory_space<vmem>>, %arg11: memref<1x600x128xf32, #tpu.memory_space<vmem>>, %arg12: memref<1x600x128xf32, #tpu.memory_space<vmem>>, %arg13: memref<1x600x128xf32, #tpu.memory_space<vmem>>, %arg14: memref<1x3x128xi32, #tpu.memory_space<vmem>>) attributes {dimension_semantics = [#tpu.dimension_semantics<arbitrary>], iteration_bounds = array<i64: 2>, scalar_prefetch = 0 : i64, scratch_operands = 0 : i64, tpu.core_type = #tpu.core_type<tc>, window_params = [{transform_indices = @transform_0, window_bounds = array<i64: 1, 600, 128>}, {transform_indices = @transform_1, window_bounds = array<i64: 1, 600, 128>}, {transform_indices = @transform_2, window_bounds = array<i64: 1, 600, 128>}, {transform_indices = @transform_3, window_bounds = array<i64: 1, 600, 128>}, {transform_indices = @transform_4, window_bounds = array<i64: 1, 600, 128>}, {transform_indices = @transform_5, window_bounds = array<i64: 1, 600, 128>}, {transform_indices = @transform_6, window_bounds = array<i64: 1, 600, 128>}, {transform_indices = @transform_7, window_bounds = array<i64: 1, 600, 128>}, {transform_indices = @transform_8, window_bounds = array<i64: 1, 600, 128>}, {transform_indices = @transform_9, window_bounds = array<i64: 1, 600, 128>}, {transform_indices = @transform_10, window_bounds = array<i64: 1, 600, 128>}, {transform_indices = @transform_11, window_bounds = array<i64: 1, 600, 128>}, {transform_indices = @transform_12, window_bounds = array<i64: 1, 600, 128>}, {transform_indices = @transform_13, window_bounds = array<i64: 1, 3, 128>}]} {
    %get3A = arith.constant 0 : index
    %get3A_0 = arith.constant 0 : index
    %get3A_1 = arith.constant 0 : index
    %get3A_2 = vector.load %arg1[%get3A, %get3A_0, %get3A_1] : memref<1x600x128xf32, #tpu.memory_space<vmem>>, vector<1x600x128xf32>
    %get3A_3 = vector.shape_cast %get3A_2 : vector<1x600x128xf32> to vector<600x128xf32>
    %bitcast_convert_type3A = tpu.bitcast %get3A_3 : vector<600x128xf32> -> vector<600x128xi32>
    %iota3A = tpu.iota {dimensions = array<i32: 0>} : vector<600x128xi32>
    %iota3A_4 = tpu.iota {dimensions = array<i32: 1>} : vector<600x128xi32>
    %mul3A = arith.constant 128 : i32
    %mul3A_5 = vector.broadcast %mul3A : i32 to vector<600x128xi32>
    %mul3A_6 = arith.muli %iota3A, %mul3A_5 : vector<600x128xi32>
    %add3A = arith.addi %mul3A_6, %iota3A_4 : vector<600x128xi32>
    %scan3A = arith.constant 0 : i32
    %scan3A_7 = arith.constant 1065353216 : i32
    %scan3A_8 = arith.constant 0 : i32
    %scan3A_9 = arith.constant 31 : i32
    %scan3A_10 = arith.addi %scan3A_8, %scan3A_9 : i32
    %scan3A_11 = arith.constant 1 : i32
    %scan3A_12:2 = scf.for %scan3A_453 = %scan3A_8 to %scan3A_10 step %scan3A_11 iter_args(%scan3A_454 = %scan3A, %scan3A_455 = %scan3A_7) -> (i32, i32)  : i32 {
      %sub3A_456 = arith.subi %scan3A_455, %scan3A_454 : i32
      %add3A_457 = arith.constant 1 : i32
      %add3A_458 = arith.addi %sub3A_456, %add3A_457 : i32
      %jit3A_459 = arith.constant 2 : i32
      %div3A_460 = arith.divsi %add3A_458, %jit3A_459 : i32
      %sign3A_461 = arith.constant 0 : i32
      %sign3A_462 = arith.cmpi sgt, %add3A_458, %sign3A_461 : i32
      %sign3A_463 = arith.extui %sign3A_462 : i1 to i32
      %sign3A_464 = arith.constant 0 : i32
      %sign3A_465 = arith.cmpi slt, %add3A_458, %sign3A_464 : i32
      %sign3A_466 = arith.extui %sign3A_465 : i1 to i32
      %sign3A_467 = arith.subi %sign3A_463, %sign3A_466 : i32
      %sign3A_468 = arith.constant 0 : i32
      %sign3A_469 = arith.cmpi sgt, %jit3A_459, %sign3A_468 : i32
      %sign3A_470 = arith.extui %sign3A_469 : i1 to i32
      %sign3A_471 = arith.constant 0 : i32
      %sign3A_472 = arith.cmpi slt, %jit3A_459, %sign3A_471 : i32
      %sign3A_473 = arith.extui %sign3A_472 : i1 to i32
      %sign3A_474 = arith.subi %sign3A_470, %sign3A_473 : i32
      %ne3A_475 = arith.cmpi ne, %sign3A_467, %sign3A_474 : i32
      %rem3A_476 = arith.remsi %add3A_458, %jit3A_459 : i32
      %ne3A_477 = arith.constant 0 : i32
      %ne3A_478 = arith.cmpi ne, %rem3A_476, %ne3A_477 : i32
      %and3A_479 = arith.andi %ne3A_475, %ne3A_478 : i1
      %sub3A_480 = arith.constant 1 : i32
      %sub3A_481 = arith.subi %div3A_460, %sub3A_480 : i32
      %select_n3A_482 = arith.select %and3A_479, %sub3A_481, %div3A_460 : i32
      %add3A_483 = arith.addi %scan3A_454, %select_n3A_482 : i32
      %ge3A = vector.broadcast %add3A_483 : i32 to vector<600x128xi32>
      %ge3A_484 = arith.cmpi sge, %bitcast_convert_type3A, %ge3A : vector<600x128xi32>
      %convert_element_type3A_485 = arith.extui %ge3A_484 : vector<600x128xi1> to vector<600x128xi32>
      %reduce_sum3A_486 = vector.shape_cast %convert_element_type3A_485 : vector<600x128xi32> to vector<1x600x128xi32>
      %reduce_sum3A_487 = arith.constant dense<0> : vector<1xi32>
      %reduce_sum3A_488 = vector.multi_reduction <add>, %reduce_sum3A_486, %reduce_sum3A_487 [1, 2] : vector<1x600x128xi32> to vector<1xi32>
      %reduce_sum3A_489 = vector.shape_cast %reduce_sum3A_488 : vector<1xi32> to vector<1x1x1xi32>
      %reduce_sum3A_490 = vector.extract %reduce_sum3A_489[0, 0, 0] : i32 from vector<1x1x1xi32>
      %ge3A_491 = arith.constant 6000 : i32
      %ge3A_492 = arith.cmpi sge, %reduce_sum3A_490, %ge3A_491 : i32
      %select_n3A_493 = arith.select %ge3A_492, %add3A_483, %scan3A_454 : i32
      %sub3A_494 = arith.constant 1 : i32
      %sub3A_495 = arith.subi %add3A_483, %sub3A_494 : i32
      %select_n3A_496 = arith.select %ge3A_492, %scan3A_455, %sub3A_495 : i32
      scf.yield %select_n3A_493, %select_n3A_496 : i32, i32
    }
    %gt3A = vector.broadcast %scan3A_12#0 : i32 to vector<600x128xi32>
    %gt3A_13 = arith.cmpi sgt, %bitcast_convert_type3A, %gt3A : vector<600x128xi32>
    %convert_element_type3A = arith.extui %gt3A_13 : vector<600x128xi1> to vector<600x128xi32>
    %reduce_sum3A = vector.shape_cast %convert_element_type3A : vector<600x128xi32> to vector<1x600x128xi32>
    %reduce_sum3A_14 = arith.constant dense<0> : vector<1xi32>
    %reduce_sum3A_15 = vector.multi_reduction <add>, %reduce_sum3A, %reduce_sum3A_14 [1, 2] : vector<1x600x128xi32> to vector<1xi32>
    %reduce_sum3A_16 = vector.shape_cast %reduce_sum3A_15 : vector<1xi32> to vector<1x1x1xi32>
    %reduce_sum3A_17 = vector.extract %reduce_sum3A_16[0, 0, 0] : i32 from vector<1x1x1xi32>
    %sub3A = arith.constant 6000 : i32
    %sub3A_18 = arith.subi %sub3A, %reduce_sum3A_17 : i32
    %eq3A = vector.broadcast %scan3A_12#0 : i32 to vector<600x128xi32>
    %eq3A_19 = arith.cmpi eq, %bitcast_convert_type3A, %eq3A : vector<600x128xi32>
    %scan3A_20 = arith.constant 0 : i32
    %scan3A_21 = arith.constant 76800 : i32
    %scan3A_22 = arith.constant 0 : i32
    %scan3A_23 = arith.constant 18 : i32
    %scan3A_24 = arith.addi %scan3A_22, %scan3A_23 : i32
    %scan3A_25 = arith.constant 1 : i32
    %scan3A_26:2 = scf.for %scan3A_453 = %scan3A_22 to %scan3A_24 step %scan3A_25 iter_args(%scan3A_454 = %scan3A_20, %scan3A_455 = %scan3A_21) -> (i32, i32)  : i32 {
      %add3A_456 = arith.addi %scan3A_454, %scan3A_455 : i32
      %jit3A_457 = arith.constant 2 : i32
      %div3A_458 = arith.divsi %add3A_456, %jit3A_457 : i32
      %sign3A_459 = arith.constant 0 : i32
      %sign3A_460 = arith.cmpi sgt, %add3A_456, %sign3A_459 : i32
      %sign3A_461 = arith.extui %sign3A_460 : i1 to i32
      %sign3A_462 = arith.constant 0 : i32
      %sign3A_463 = arith.cmpi slt, %add3A_456, %sign3A_462 : i32
      %sign3A_464 = arith.extui %sign3A_463 : i1 to i32
      %sign3A_465 = arith.subi %sign3A_461, %sign3A_464 : i32
      %sign3A_466 = arith.constant 0 : i32
      %sign3A_467 = arith.cmpi sgt, %jit3A_457, %sign3A_466 : i32
      %sign3A_468 = arith.extui %sign3A_467 : i1 to i32
      %sign3A_469 = arith.constant 0 : i32
      %sign3A_470 = arith.cmpi slt, %jit3A_457, %sign3A_469 : i32
      %sign3A_471 = arith.extui %sign3A_470 : i1 to i32
      %sign3A_472 = arith.subi %sign3A_468, %sign3A_471 : i32
      %ne3A_473 = arith.cmpi ne, %sign3A_465, %sign3A_472 : i32
      %rem3A_474 = arith.remsi %add3A_456, %jit3A_457 : i32
      %ne3A_475 = arith.constant 0 : i32
      %ne3A_476 = arith.cmpi ne, %rem3A_474, %ne3A_475 : i32
      %and3A_477 = arith.andi %ne3A_473, %ne3A_476 : i1
      %sub3A_478 = arith.constant 1 : i32
      %sub3A_479 = arith.subi %div3A_458, %sub3A_478 : i32
      %select_n3A_480 = arith.select %and3A_477, %sub3A_479, %div3A_458 : i32
      %lt3A_481 = vector.broadcast %select_n3A_480 : i32 to vector<600x128xi32>
      %lt3A_482 = arith.cmpi slt, %add3A, %lt3A_481 : vector<600x128xi32>
      %and3A_483 = arith.andi %eq3A_19, %lt3A_482 : vector<600x128xi1>
      %convert_element_type3A_484 = arith.extui %and3A_483 : vector<600x128xi1> to vector<600x128xi32>
      %reduce_sum3A_485 = vector.shape_cast %convert_element_type3A_484 : vector<600x128xi32> to vector<1x600x128xi32>
      %reduce_sum3A_486 = arith.constant dense<0> : vector<1xi32>
      %reduce_sum3A_487 = vector.multi_reduction <add>, %reduce_sum3A_485, %reduce_sum3A_486 [1, 2] : vector<1x600x128xi32> to vector<1xi32>
      %reduce_sum3A_488 = vector.shape_cast %reduce_sum3A_487 : vector<1xi32> to vector<1x1x1xi32>
      %reduce_sum3A_489 = vector.extract %reduce_sum3A_488[0, 0, 0] : i32 from vector<1x1x1xi32>
      %ge3A = arith.cmpi sge, %reduce_sum3A_489, %sub3A_18 : i32
      %add3A_490 = arith.constant 1 : i32
      %add3A_491 = arith.addi %select_n3A_480, %add3A_490 : i32
      %select_n3A_492 = arith.select %ge3A, %scan3A_454, %add3A_491 : i32
      %select_n3A_493 = arith.select %ge3A, %select_n3A_480, %scan3A_455 : i32
      scf.yield %select_n3A_492, %select_n3A_493 : i32, i32
    }
    %gt3A_27 = vector.broadcast %scan3A_12#0 : i32 to vector<600x128xi32>
    %gt3A_28 = arith.cmpi sgt, %bitcast_convert_type3A, %gt3A_27 : vector<600x128xi32>
    %lt3A = vector.broadcast %scan3A_26#0 : i32 to vector<600x128xi32>
    %lt3A_29 = arith.cmpi slt, %add3A, %lt3A : vector<600x128xi32>
    %and3A = arith.andi %eq3A_19, %lt3A_29 : vector<600x128xi1>
    %or3A = arith.ori %gt3A_28, %and3A : vector<600x128xi1>
    %jit3A = arith.constant 4800 : i32
    %div3A = vector.broadcast %jit3A : i32 to vector<600x128xi32>
    %div3A_30 = arith.divsi %add3A, %div3A : vector<600x128xi32>
    %sign3A = arith.constant 0 : i32
    %sign3A_31 = vector.broadcast %sign3A : i32 to vector<600x128xi32>
    %sign3A_32 = arith.cmpi sgt, %add3A, %sign3A_31 : vector<600x128xi32>
    %sign3A_33 = arith.extui %sign3A_32 : vector<600x128xi1> to vector<600x128xi32>
    %sign3A_34 = arith.constant 0 : i32
    %sign3A_35 = vector.broadcast %sign3A_34 : i32 to vector<600x128xi32>
    %sign3A_36 = arith.cmpi slt, %add3A, %sign3A_35 : vector<600x128xi32>
    %sign3A_37 = arith.extui %sign3A_36 : vector<600x128xi1> to vector<600x128xi32>
    %sign3A_38 = arith.subi %sign3A_33, %sign3A_37 : vector<600x128xi32>
    %sign3A_39 = arith.constant 0 : i32
    %sign3A_40 = arith.cmpi sgt, %jit3A, %sign3A_39 : i32
    %sign3A_41 = arith.extui %sign3A_40 : i1 to i32
    %sign3A_42 = arith.constant 0 : i32
    %sign3A_43 = arith.cmpi slt, %jit3A, %sign3A_42 : i32
    %sign3A_44 = arith.extui %sign3A_43 : i1 to i32
    %sign3A_45 = arith.subi %sign3A_41, %sign3A_44 : i32
    %ne3A = vector.broadcast %sign3A_45 : i32 to vector<600x128xi32>
    %ne3A_46 = arith.cmpi ne, %sign3A_38, %ne3A : vector<600x128xi32>
    %rem3A = vector.broadcast %jit3A : i32 to vector<600x128xi32>
    %rem3A_47 = arith.remsi %add3A, %rem3A : vector<600x128xi32>
    %ne3A_48 = arith.constant 0 : i32
    %ne3A_49 = vector.broadcast %ne3A_48 : i32 to vector<600x128xi32>
    %ne3A_50 = arith.cmpi ne, %rem3A_47, %ne3A_49 : vector<600x128xi32>
    %and3A_51 = arith.andi %ne3A_46, %ne3A_50 : vector<600x128xi1>
    %sub3A_52 = arith.constant 1 : i32
    %sub3A_53 = vector.broadcast %sub3A_52 : i32 to vector<600x128xi32>
    %sub3A_54 = arith.subi %div3A_30, %sub3A_53 : vector<600x128xi32>
    %select_n3A = arith.select %and3A_51, %sub3A_54, %div3A_30 : vector<600x128xi1>, vector<600x128xi32>
    %iota3A_55 = tpu.iota {dimensions = array<i32: 1>} : vector<1x128xi32>
    %broadcast_in_dim3A = arith.constant 0 : i32
    %broadcast_in_dim3A_56 = vector.broadcast %broadcast_in_dim3A : i32 to vector<1x128xi32>
    %eq3A_57 = arith.constant 0 : i32
    %eq3A_58 = vector.broadcast %eq3A_57 : i32 to vector<600x128xi32>
    %eq3A_59 = arith.cmpi eq, %select_n3A, %eq3A_58 : vector<600x128xi32>
    %and3A_60 = arith.andi %or3A, %eq3A_59 : vector<600x128xi1>
    %convert_element_type3A_61 = arith.extui %and3A_60 : vector<600x128xi1> to vector<600x128xi32>
    %reduce_sum3A_62 = vector.shape_cast %convert_element_type3A_61 : vector<600x128xi32> to vector<1x600x128xi32>
    %reduce_sum3A_63 = arith.constant dense<0> : vector<1xi32>
    %reduce_sum3A_64 = vector.multi_reduction <add>, %reduce_sum3A_62, %reduce_sum3A_63 [1, 2] : vector<1x600x128xi32> to vector<1xi32>
    %reduce_sum3A_65 = vector.shape_cast %reduce_sum3A_64 : vector<1xi32> to vector<1x1x1xi32>
    %reduce_sum3A_66 = vector.extract %reduce_sum3A_65[0, 0, 0] : i32 from vector<1x1x1xi32>
    %eq3A_67 = arith.constant 0 : i32
    %eq3A_68 = vector.broadcast %eq3A_67 : i32 to vector<1x128xi32>
    %eq3A_69 = arith.cmpi eq, %iota3A_55, %eq3A_68 : vector<1x128xi32>
    %broadcast_in_dim3A_70 = vector.broadcast %reduce_sum3A_66 : i32 to vector<1x128xi32>
    %select_n3A_71 = arith.select %eq3A_69, %broadcast_in_dim3A_70, %broadcast_in_dim3A_56 : vector<1x128xi1>, vector<1x128xi32>
    %eq3A_72 = arith.constant 1 : i32
    %eq3A_73 = vector.broadcast %eq3A_72 : i32 to vector<600x128xi32>
    %eq3A_74 = arith.cmpi eq, %select_n3A, %eq3A_73 : vector<600x128xi32>
    %and3A_75 = arith.andi %or3A, %eq3A_74 : vector<600x128xi1>
    %convert_element_type3A_76 = arith.extui %and3A_75 : vector<600x128xi1> to vector<600x128xi32>
    %reduce_sum3A_77 = vector.shape_cast %convert_element_type3A_76 : vector<600x128xi32> to vector<1x600x128xi32>
    %reduce_sum3A_78 = arith.constant dense<0> : vector<1xi32>
    %reduce_sum3A_79 = vector.multi_reduction <add>, %reduce_sum3A_77, %reduce_sum3A_78 [1, 2] : vector<1x600x128xi32> to vector<1xi32>
    %reduce_sum3A_80 = vector.shape_cast %reduce_sum3A_79 : vector<1xi32> to vector<1x1x1xi32>
    %reduce_sum3A_81 = vector.extract %reduce_sum3A_80[0, 0, 0] : i32 from vector<1x1x1xi32>
    %eq3A_82 = arith.constant 1 : i32
    %eq3A_83 = vector.broadcast %eq3A_82 : i32 to vector<1x128xi32>
    %eq3A_84 = arith.cmpi eq, %iota3A_55, %eq3A_83 : vector<1x128xi32>
    %broadcast_in_dim3A_85 = vector.broadcast %reduce_sum3A_81 : i32 to vector<1x128xi32>
    %select_n3A_86 = arith.select %eq3A_84, %broadcast_in_dim3A_85, %select_n3A_71 : vector<1x128xi1>, vector<1x128xi32>
    %eq3A_87 = arith.constant 2 : i32
    %eq3A_88 = vector.broadcast %eq3A_87 : i32 to vector<600x128xi32>
    %eq3A_89 = arith.cmpi eq, %select_n3A, %eq3A_88 : vector<600x128xi32>
    %and3A_90 = arith.andi %or3A, %eq3A_89 : vector<600x128xi1>
    %convert_element_type3A_91 = arith.extui %and3A_90 : vector<600x128xi1> to vector<600x128xi32>
    %reduce_sum3A_92 = vector.shape_cast %convert_element_type3A_91 : vector<600x128xi32> to vector<1x600x128xi32>
    %reduce_sum3A_93 = arith.constant dense<0> : vector<1xi32>
    %reduce_sum3A_94 = vector.multi_reduction <add>, %reduce_sum3A_92, %reduce_sum3A_93 [1, 2] : vector<1x600x128xi32> to vector<1xi32>
    %reduce_sum3A_95 = vector.shape_cast %reduce_sum3A_94 : vector<1xi32> to vector<1x1x1xi32>
    %reduce_sum3A_96 = vector.extract %reduce_sum3A_95[0, 0, 0] : i32 from vector<1x1x1xi32>
    %eq3A_97 = arith.constant 2 : i32
    %eq3A_98 = vector.broadcast %eq3A_97 : i32 to vector<1x128xi32>
    %eq3A_99 = arith.cmpi eq, %iota3A_55, %eq3A_98 : vector<1x128xi32>
    %broadcast_in_dim3A_100 = vector.broadcast %reduce_sum3A_96 : i32 to vector<1x128xi32>
    %select_n3A_101 = arith.select %eq3A_99, %broadcast_in_dim3A_100, %select_n3A_86 : vector<1x128xi1>, vector<1x128xi32>
    %eq3A_102 = arith.constant 3 : i32
    %eq3A_103 = vector.broadcast %eq3A_102 : i32 to vector<600x128xi32>
    %eq3A_104 = arith.cmpi eq, %select_n3A, %eq3A_103 : vector<600x128xi32>
    %and3A_105 = arith.andi %or3A, %eq3A_104 : vector<600x128xi1>
    %convert_element_type3A_106 = arith.extui %and3A_105 : vector<600x128xi1> to vector<600x128xi32>
    %reduce_sum3A_107 = vector.shape_cast %convert_element_type3A_106 : vector<600x128xi32> to vector<1x600x128xi32>
    %reduce_sum3A_108 = arith.constant dense<0> : vector<1xi32>
    %reduce_sum3A_109 = vector.multi_reduction <add>, %reduce_sum3A_107, %reduce_sum3A_108 [1, 2] : vector<1x600x128xi32> to vector<1xi32>
    %reduce_sum3A_110 = vector.shape_cast %reduce_sum3A_109 : vector<1xi32> to vector<1x1x1xi32>
    %reduce_sum3A_111 = vector.extract %reduce_sum3A_110[0, 0, 0] : i32 from vector<1x1x1xi32>
    %eq3A_112 = arith.constant 3 : i32
    %eq3A_113 = vector.broadcast %eq3A_112 : i32 to vector<1x128xi32>
    %eq3A_114 = arith.cmpi eq, %iota3A_55, %eq3A_113 : vector<1x128xi32>
    %broadcast_in_dim3A_115 = vector.broadcast %reduce_sum3A_111 : i32 to vector<1x128xi32>
    %select_n3A_116 = arith.select %eq3A_114, %broadcast_in_dim3A_115, %select_n3A_101 : vector<1x128xi1>, vector<1x128xi32>
    %eq3A_117 = arith.constant 4 : i32
    %eq3A_118 = vector.broadcast %eq3A_117 : i32 to vector<600x128xi32>
    %eq3A_119 = arith.cmpi eq, %select_n3A, %eq3A_118 : vector<600x128xi32>
    %and3A_120 = arith.andi %or3A, %eq3A_119 : vector<600x128xi1>
    %convert_element_type3A_121 = arith.extui %and3A_120 : vector<600x128xi1> to vector<600x128xi32>
    %reduce_sum3A_122 = vector.shape_cast %convert_element_type3A_121 : vector<600x128xi32> to vector<1x600x128xi32>
    %reduce_sum3A_123 = arith.constant dense<0> : vector<1xi32>
    %reduce_sum3A_124 = vector.multi_reduction <add>, %reduce_sum3A_122, %reduce_sum3A_123 [1, 2] : vector<1x600x128xi32> to vector<1xi32>
    %reduce_sum3A_125 = vector.shape_cast %reduce_sum3A_124 : vector<1xi32> to vector<1x1x1xi32>
    %reduce_sum3A_126 = vector.extract %reduce_sum3A_125[0, 0, 0] : i32 from vector<1x1x1xi32>
    %eq3A_127 = arith.constant 4 : i32
    %eq3A_128 = vector.broadcast %eq3A_127 : i32 to vector<1x128xi32>
    %eq3A_129 = arith.cmpi eq, %iota3A_55, %eq3A_128 : vector<1x128xi32>
    %broadcast_in_dim3A_130 = vector.broadcast %reduce_sum3A_126 : i32 to vector<1x128xi32>
    %select_n3A_131 = arith.select %eq3A_129, %broadcast_in_dim3A_130, %select_n3A_116 : vector<1x128xi1>, vector<1x128xi32>
    %eq3A_132 = arith.constant 5 : i32
    %eq3A_133 = vector.broadcast %eq3A_132 : i32 to vector<600x128xi32>
    %eq3A_134 = arith.cmpi eq, %select_n3A, %eq3A_133 : vector<600x128xi32>
    %and3A_135 = arith.andi %or3A, %eq3A_134 : vector<600x128xi1>
    %convert_element_type3A_136 = arith.extui %and3A_135 : vector<600x128xi1> to vector<600x128xi32>
    %reduce_sum3A_137 = vector.shape_cast %convert_element_type3A_136 : vector<600x128xi32> to vector<1x600x128xi32>
    %reduce_sum3A_138 = arith.constant dense<0> : vector<1xi32>
    %reduce_sum3A_139 = vector.multi_reduction <add>, %reduce_sum3A_137, %reduce_sum3A_138 [1, 2] : vector<1x600x128xi32> to vector<1xi32>
    %reduce_sum3A_140 = vector.shape_cast %reduce_sum3A_139 : vector<1xi32> to vector<1x1x1xi32>
    %reduce_sum3A_141 = vector.extract %reduce_sum3A_140[0, 0, 0] : i32 from vector<1x1x1xi32>
    %eq3A_142 = arith.constant 5 : i32
    %eq3A_143 = vector.broadcast %eq3A_142 : i32 to vector<1x128xi32>
    %eq3A_144 = arith.cmpi eq, %iota3A_55, %eq3A_143 : vector<1x128xi32>
    %broadcast_in_dim3A_145 = vector.broadcast %reduce_sum3A_141 : i32 to vector<1x128xi32>
    %select_n3A_146 = arith.select %eq3A_144, %broadcast_in_dim3A_145, %select_n3A_131 : vector<1x128xi1>, vector<1x128xi32>
    %eq3A_147 = arith.constant 6 : i32
    %eq3A_148 = vector.broadcast %eq3A_147 : i32 to vector<600x128xi32>
    %eq3A_149 = arith.cmpi eq, %select_n3A, %eq3A_148 : vector<600x128xi32>
    %and3A_150 = arith.andi %or3A, %eq3A_149 : vector<600x128xi1>
    %convert_element_type3A_151 = arith.extui %and3A_150 : vector<600x128xi1> to vector<600x128xi32>
    %reduce_sum3A_152 = vector.shape_cast %convert_element_type3A_151 : vector<600x128xi32> to vector<1x600x128xi32>
    %reduce_sum3A_153 = arith.constant dense<0> : vector<1xi32>
    %reduce_sum3A_154 = vector.multi_reduction <add>, %reduce_sum3A_152, %reduce_sum3A_153 [1, 2] : vector<1x600x128xi32> to vector<1xi32>
    %reduce_sum3A_155 = vector.shape_cast %reduce_sum3A_154 : vector<1xi32> to vector<1x1x1xi32>
    %reduce_sum3A_156 = vector.extract %reduce_sum3A_155[0, 0, 0] : i32 from vector<1x1x1xi32>
    %eq3A_157 = arith.constant 6 : i32
    %eq3A_158 = vector.broadcast %eq3A_157 : i32 to vector<1x128xi32>
    %eq3A_159 = arith.cmpi eq, %iota3A_55, %eq3A_158 : vector<1x128xi32>
    %broadcast_in_dim3A_160 = vector.broadcast %reduce_sum3A_156 : i32 to vector<1x128xi32>
    %select_n3A_161 = arith.select %eq3A_159, %broadcast_in_dim3A_160, %select_n3A_146 : vector<1x128xi1>, vector<1x128xi32>
    %eq3A_162 = arith.constant 7 : i32
    %eq3A_163 = vector.broadcast %eq3A_162 : i32 to vector<600x128xi32>
    %eq3A_164 = arith.cmpi eq, %select_n3A, %eq3A_163 : vector<600x128xi32>
    %and3A_165 = arith.andi %or3A, %eq3A_164 : vector<600x128xi1>
    %convert_element_type3A_166 = arith.extui %and3A_165 : vector<600x128xi1> to vector<600x128xi32>
    %reduce_sum3A_167 = vector.shape_cast %convert_element_type3A_166 : vector<600x128xi32> to vector<1x600x128xi32>
    %reduce_sum3A_168 = arith.constant dense<0> : vector<1xi32>
    %reduce_sum3A_169 = vector.multi_reduction <add>, %reduce_sum3A_167, %reduce_sum3A_168 [1, 2] : vector<1x600x128xi32> to vector<1xi32>
    %reduce_sum3A_170 = vector.shape_cast %reduce_sum3A_169 : vector<1xi32> to vector<1x1x1xi32>
    %reduce_sum3A_171 = vector.extract %reduce_sum3A_170[0, 0, 0] : i32 from vector<1x1x1xi32>
    %eq3A_172 = arith.constant 7 : i32
    %eq3A_173 = vector.broadcast %eq3A_172 : i32 to vector<1x128xi32>
    %eq3A_174 = arith.cmpi eq, %iota3A_55, %eq3A_173 : vector<1x128xi32>
    %broadcast_in_dim3A_175 = vector.broadcast %reduce_sum3A_171 : i32 to vector<1x128xi32>
    %select_n3A_176 = arith.select %eq3A_174, %broadcast_in_dim3A_175, %select_n3A_161 : vector<1x128xi1>, vector<1x128xi32>
    %eq3A_177 = arith.constant 8 : i32
    %eq3A_178 = vector.broadcast %eq3A_177 : i32 to vector<600x128xi32>
    %eq3A_179 = arith.cmpi eq, %select_n3A, %eq3A_178 : vector<600x128xi32>
    %and3A_180 = arith.andi %or3A, %eq3A_179 : vector<600x128xi1>
    %convert_element_type3A_181 = arith.extui %and3A_180 : vector<600x128xi1> to vector<600x128xi32>
    %reduce_sum3A_182 = vector.shape_cast %convert_element_type3A_181 : vector<600x128xi32> to vector<1x600x128xi32>
    %reduce_sum3A_183 = arith.constant dense<0> : vector<1xi32>
    %reduce_sum3A_184 = vector.multi_reduction <add>, %reduce_sum3A_182, %reduce_sum3A_183 [1, 2] : vector<1x600x128xi32> to vector<1xi32>
    %reduce_sum3A_185 = vector.shape_cast %reduce_sum3A_184 : vector<1xi32> to vector<1x1x1xi32>
    %reduce_sum3A_186 = vector.extract %reduce_sum3A_185[0, 0, 0] : i32 from vector<1x1x1xi32>
    %eq3A_187 = arith.constant 8 : i32
    %eq3A_188 = vector.broadcast %eq3A_187 : i32 to vector<1x128xi32>
    %eq3A_189 = arith.cmpi eq, %iota3A_55, %eq3A_188 : vector<1x128xi32>
    %broadcast_in_dim3A_190 = vector.broadcast %reduce_sum3A_186 : i32 to vector<1x128xi32>
    %select_n3A_191 = arith.select %eq3A_189, %broadcast_in_dim3A_190, %select_n3A_176 : vector<1x128xi1>, vector<1x128xi32>
    %eq3A_192 = arith.constant 9 : i32
    %eq3A_193 = vector.broadcast %eq3A_192 : i32 to vector<600x128xi32>
    %eq3A_194 = arith.cmpi eq, %select_n3A, %eq3A_193 : vector<600x128xi32>
    %and3A_195 = arith.andi %or3A, %eq3A_194 : vector<600x128xi1>
    %convert_element_type3A_196 = arith.extui %and3A_195 : vector<600x128xi1> to vector<600x128xi32>
    %reduce_sum3A_197 = vector.shape_cast %convert_element_type3A_196 : vector<600x128xi32> to vector<1x600x128xi32>
    %reduce_sum3A_198 = arith.constant dense<0> : vector<1xi32>
    %reduce_sum3A_199 = vector.multi_reduction <add>, %reduce_sum3A_197, %reduce_sum3A_198 [1, 2] : vector<1x600x128xi32> to vector<1xi32>
    %reduce_sum3A_200 = vector.shape_cast %reduce_sum3A_199 : vector<1xi32> to vector<1x1x1xi32>
    %reduce_sum3A_201 = vector.extract %reduce_sum3A_200[0, 0, 0] : i32 from vector<1x1x1xi32>
    %eq3A_202 = arith.constant 9 : i32
    %eq3A_203 = vector.broadcast %eq3A_202 : i32 to vector<1x128xi32>
    %eq3A_204 = arith.cmpi eq, %iota3A_55, %eq3A_203 : vector<1x128xi32>
    %broadcast_in_dim3A_205 = vector.broadcast %reduce_sum3A_201 : i32 to vector<1x128xi32>
    %select_n3A_206 = arith.select %eq3A_204, %broadcast_in_dim3A_205, %select_n3A_191 : vector<1x128xi1>, vector<1x128xi32>
    %eq3A_207 = arith.constant 10 : i32
    %eq3A_208 = vector.broadcast %eq3A_207 : i32 to vector<600x128xi32>
    %eq3A_209 = arith.cmpi eq, %select_n3A, %eq3A_208 : vector<600x128xi32>
    %and3A_210 = arith.andi %or3A, %eq3A_209 : vector<600x128xi1>
    %convert_element_type3A_211 = arith.extui %and3A_210 : vector<600x128xi1> to vector<600x128xi32>
    %reduce_sum3A_212 = vector.shape_cast %convert_element_type3A_211 : vector<600x128xi32> to vector<1x600x128xi32>
    %reduce_sum3A_213 = arith.constant dense<0> : vector<1xi32>
    %reduce_sum3A_214 = vector.multi_reduction <add>, %reduce_sum3A_212, %reduce_sum3A_213 [1, 2] : vector<1x600x128xi32> to vector<1xi32>
    %reduce_sum3A_215 = vector.shape_cast %reduce_sum3A_214 : vector<1xi32> to vector<1x1x1xi32>
    %reduce_sum3A_216 = vector.extract %reduce_sum3A_215[0, 0, 0] : i32 from vector<1x1x1xi32>
    %eq3A_217 = arith.constant 10 : i32
    %eq3A_218 = vector.broadcast %eq3A_217 : i32 to vector<1x128xi32>
    %eq3A_219 = arith.cmpi eq, %iota3A_55, %eq3A_218 : vector<1x128xi32>
    %broadcast_in_dim3A_220 = vector.broadcast %reduce_sum3A_216 : i32 to vector<1x128xi32>
    %select_n3A_221 = arith.select %eq3A_219, %broadcast_in_dim3A_220, %select_n3A_206 : vector<1x128xi1>, vector<1x128xi32>
    %eq3A_222 = arith.constant 11 : i32
    %eq3A_223 = vector.broadcast %eq3A_222 : i32 to vector<600x128xi32>
    %eq3A_224 = arith.cmpi eq, %select_n3A, %eq3A_223 : vector<600x128xi32>
    %and3A_225 = arith.andi %or3A, %eq3A_224 : vector<600x128xi1>
    %convert_element_type3A_226 = arith.extui %and3A_225 : vector<600x128xi1> to vector<600x128xi32>
    %reduce_sum3A_227 = vector.shape_cast %convert_element_type3A_226 : vector<600x128xi32> to vector<1x600x128xi32>
    %reduce_sum3A_228 = arith.constant dense<0> : vector<1xi32>
    %reduce_sum3A_229 = vector.multi_reduction <add>, %reduce_sum3A_227, %reduce_sum3A_228 [1, 2] : vector<1x600x128xi32> to vector<1xi32>
    %reduce_sum3A_230 = vector.shape_cast %reduce_sum3A_229 : vector<1xi32> to vector<1x1x1xi32>
    %reduce_sum3A_231 = vector.extract %reduce_sum3A_230[0, 0, 0] : i32 from vector<1x1x1xi32>
    %eq3A_232 = arith.constant 11 : i32
    %eq3A_233 = vector.broadcast %eq3A_232 : i32 to vector<1x128xi32>
    %eq3A_234 = arith.cmpi eq, %iota3A_55, %eq3A_233 : vector<1x128xi32>
    %broadcast_in_dim3A_235 = vector.broadcast %reduce_sum3A_231 : i32 to vector<1x128xi32>
    %select_n3A_236 = arith.select %eq3A_234, %broadcast_in_dim3A_235, %select_n3A_221 : vector<1x128xi1>, vector<1x128xi32>
    %eq3A_237 = arith.constant 12 : i32
    %eq3A_238 = vector.broadcast %eq3A_237 : i32 to vector<600x128xi32>
    %eq3A_239 = arith.cmpi eq, %select_n3A, %eq3A_238 : vector<600x128xi32>
    %and3A_240 = arith.andi %or3A, %eq3A_239 : vector<600x128xi1>
    %convert_element_type3A_241 = arith.extui %and3A_240 : vector<600x128xi1> to vector<600x128xi32>
    %reduce_sum3A_242 = vector.shape_cast %convert_element_type3A_241 : vector<600x128xi32> to vector<1x600x128xi32>
    %reduce_sum3A_243 = arith.constant dense<0> : vector<1xi32>
    %reduce_sum3A_244 = vector.multi_reduction <add>, %reduce_sum3A_242, %reduce_sum3A_243 [1, 2] : vector<1x600x128xi32> to vector<1xi32>
    %reduce_sum3A_245 = vector.shape_cast %reduce_sum3A_244 : vector<1xi32> to vector<1x1x1xi32>
    %reduce_sum3A_246 = vector.extract %reduce_sum3A_245[0, 0, 0] : i32 from vector<1x1x1xi32>
    %eq3A_247 = arith.constant 12 : i32
    %eq3A_248 = vector.broadcast %eq3A_247 : i32 to vector<1x128xi32>
    %eq3A_249 = arith.cmpi eq, %iota3A_55, %eq3A_248 : vector<1x128xi32>
    %broadcast_in_dim3A_250 = vector.broadcast %reduce_sum3A_246 : i32 to vector<1x128xi32>
    %select_n3A_251 = arith.select %eq3A_249, %broadcast_in_dim3A_250, %select_n3A_236 : vector<1x128xi1>, vector<1x128xi32>
    %eq3A_252 = arith.constant 13 : i32
    %eq3A_253 = vector.broadcast %eq3A_252 : i32 to vector<600x128xi32>
    %eq3A_254 = arith.cmpi eq, %select_n3A, %eq3A_253 : vector<600x128xi32>
    %and3A_255 = arith.andi %or3A, %eq3A_254 : vector<600x128xi1>
    %convert_element_type3A_256 = arith.extui %and3A_255 : vector<600x128xi1> to vector<600x128xi32>
    %reduce_sum3A_257 = vector.shape_cast %convert_element_type3A_256 : vector<600x128xi32> to vector<1x600x128xi32>
    %reduce_sum3A_258 = arith.constant dense<0> : vector<1xi32>
    %reduce_sum3A_259 = vector.multi_reduction <add>, %reduce_sum3A_257, %reduce_sum3A_258 [1, 2] : vector<1x600x128xi32> to vector<1xi32>
    %reduce_sum3A_260 = vector.shape_cast %reduce_sum3A_259 : vector<1xi32> to vector<1x1x1xi32>
    %reduce_sum3A_261 = vector.extract %reduce_sum3A_260[0, 0, 0] : i32 from vector<1x1x1xi32>
    %eq3A_262 = arith.constant 13 : i32
    %eq3A_263 = vector.broadcast %eq3A_262 : i32 to vector<1x128xi32>
    %eq3A_264 = arith.cmpi eq, %iota3A_55, %eq3A_263 : vector<1x128xi32>
    %broadcast_in_dim3A_265 = vector.broadcast %reduce_sum3A_261 : i32 to vector<1x128xi32>
    %select_n3A_266 = arith.select %eq3A_264, %broadcast_in_dim3A_265, %select_n3A_251 : vector<1x128xi1>, vector<1x128xi32>
    %eq3A_267 = arith.constant 14 : i32
    %eq3A_268 = vector.broadcast %eq3A_267 : i32 to vector<600x128xi32>
    %eq3A_269 = arith.cmpi eq, %select_n3A, %eq3A_268 : vector<600x128xi32>
    %and3A_270 = arith.andi %or3A, %eq3A_269 : vector<600x128xi1>
    %convert_element_type3A_271 = arith.extui %and3A_270 : vector<600x128xi1> to vector<600x128xi32>
    %reduce_sum3A_272 = vector.shape_cast %convert_element_type3A_271 : vector<600x128xi32> to vector<1x600x128xi32>
    %reduce_sum3A_273 = arith.constant dense<0> : vector<1xi32>
    %reduce_sum3A_274 = vector.multi_reduction <add>, %reduce_sum3A_272, %reduce_sum3A_273 [1, 2] : vector<1x600x128xi32> to vector<1xi32>
    %reduce_sum3A_275 = vector.shape_cast %reduce_sum3A_274 : vector<1xi32> to vector<1x1x1xi32>
    %reduce_sum3A_276 = vector.extract %reduce_sum3A_275[0, 0, 0] : i32 from vector<1x1x1xi32>
    %eq3A_277 = arith.constant 14 : i32
    %eq3A_278 = vector.broadcast %eq3A_277 : i32 to vector<1x128xi32>
    %eq3A_279 = arith.cmpi eq, %iota3A_55, %eq3A_278 : vector<1x128xi32>
    %broadcast_in_dim3A_280 = vector.broadcast %reduce_sum3A_276 : i32 to vector<1x128xi32>
    %select_n3A_281 = arith.select %eq3A_279, %broadcast_in_dim3A_280, %select_n3A_266 : vector<1x128xi1>, vector<1x128xi32>
    %eq3A_282 = arith.constant 15 : i32
    %eq3A_283 = vector.broadcast %eq3A_282 : i32 to vector<600x128xi32>
    %eq3A_284 = arith.cmpi eq, %select_n3A, %eq3A_283 : vector<600x128xi32>
    %and3A_285 = arith.andi %or3A, %eq3A_284 : vector<600x128xi1>
    %convert_element_type3A_286 = arith.extui %and3A_285 : vector<600x128xi1> to vector<600x128xi32>
    %reduce_sum3A_287 = vector.shape_cast %convert_element_type3A_286 : vector<600x128xi32> to vector<1x600x128xi32>
    %reduce_sum3A_288 = arith.constant dense<0> : vector<1xi32>
    %reduce_sum3A_289 = vector.multi_reduction <add>, %reduce_sum3A_287, %reduce_sum3A_288 [1, 2] : vector<1x600x128xi32> to vector<1xi32>
    %reduce_sum3A_290 = vector.shape_cast %reduce_sum3A_289 : vector<1xi32> to vector<1x1x1xi32>
    %reduce_sum3A_291 = vector.extract %reduce_sum3A_290[0, 0, 0] : i32 from vector<1x1x1xi32>
    %eq3A_292 = arith.constant 15 : i32
    %eq3A_293 = vector.broadcast %eq3A_292 : i32 to vector<1x128xi32>
    %eq3A_294 = arith.cmpi eq, %iota3A_55, %eq3A_293 : vector<1x128xi32>
    %broadcast_in_dim3A_295 = vector.broadcast %reduce_sum3A_291 : i32 to vector<1x128xi32>
    %select_n3A_296 = arith.select %eq3A_294, %broadcast_in_dim3A_295, %select_n3A_281 : vector<1x128xi1>, vector<1x128xi32>
    %swap3A = arith.constant 0 : index
    %swap3A_297 = arith.constant 0 : index
    %swap3A_298 = arith.constant 0 : index
    %swap3A_299 = vector.load %arg14[%swap3A, %swap3A_297, %swap3A_298] : memref<1x3x128xi32, #tpu.memory_space<vmem>>, vector<1x1x128xi32>
    %swap3A_300 = vector.shape_cast %swap3A_299 : vector<1x1x128xi32> to vector<1x128xi32>
    %swap3A_301 = vector.shape_cast %select_n3A_296 : vector<1x128xi32> to vector<1x1x128xi32>
    tpu.vector_store %arg14[%swap3A, %swap3A_297, %swap3A_298], %swap3A_301 {strides = array<i32>} : memref<1x3x128xi32, #tpu.memory_space<vmem>>, vector<1x1x128xi32>,
    %broadcast_in_dim3A_302 = vector.broadcast %scan3A_12#0 : i32 to vector<1x128xi32>
    %swap3A_303 = arith.constant 0 : index
    %swap3A_304 = arith.constant 1 : index
    %swap3A_305 = arith.constant 0 : index
    %swap3A_306 = vector.load %arg14[%swap3A_303, %swap3A_304, %swap3A_305] : memref<1x3x128xi32, #tpu.memory_space<vmem>>, vector<1x1x128xi32>
    %swap3A_307 = vector.shape_cast %swap3A_306 : vector<1x1x128xi32> to vector<1x128xi32>
    %swap3A_308 = vector.shape_cast %broadcast_in_dim3A_302 : vector<1x128xi32> to vector<1x1x128xi32>
    tpu.vector_store %arg14[%swap3A_303, %swap3A_304, %swap3A_305], %swap3A_308 {strides = array<i32>} : memref<1x3x128xi32, #tpu.memory_space<vmem>>, vector<1x1x128xi32>,
    %broadcast_in_dim3A_309 = vector.broadcast %scan3A_26#0 : i32 to vector<1x128xi32>
    %swap3A_310 = arith.constant 0 : index
    %swap3A_311 = arith.constant 2 : index
    %swap3A_312 = arith.constant 0 : index
    %swap3A_313 = vector.load %arg14[%swap3A_310, %swap3A_311, %swap3A_312] : memref<1x3x128xi32, #tpu.memory_space<vmem>>, vector<1x1x128xi32>
    %swap3A_314 = vector.shape_cast %swap3A_313 : vector<1x1x128xi32> to vector<1x128xi32>
    %swap3A_315 = vector.shape_cast %broadcast_in_dim3A_309 : vector<1x128xi32> to vector<1x1x128xi32>
    tpu.vector_store %arg14[%swap3A_310, %swap3A_311, %swap3A_312], %swap3A_315 {strides = array<i32>} : memref<1x3x128xi32, #tpu.memory_space<vmem>>, vector<1x1x128xi32>,
    %get3A_316 = arith.constant 0 : index
    %get3A_317 = arith.constant 0 : index
    %get3A_318 = arith.constant 0 : index
    %get3A_319 = vector.load %arg2[%get3A_316, %get3A_317, %get3A_318] : memref<1x600x128xf32, #tpu.memory_space<vmem>>, vector<1x600x128xf32>
    %get3A_320 = vector.shape_cast %get3A_319 : vector<1x600x128xf32> to vector<600x128xf32>
    %get3A_321 = arith.constant 0 : index
    %get3A_322 = arith.constant 0 : index
    %get3A_323 = arith.constant 0 : index
    %get3A_324 = vector.load %arg3[%get3A_321, %get3A_322, %get3A_323] : memref<1x600x128xf32, #tpu.memory_space<vmem>>, vector<1x600x128xf32>
    %get3A_325 = vector.shape_cast %get3A_324 : vector<1x600x128xf32> to vector<600x128xf32>
    %get3A_326 = arith.constant 0 : index
    %get3A_327 = arith.constant 0 : index
    %get3A_328 = arith.constant 0 : index
    %get3A_329 = vector.load %arg4[%get3A_326, %get3A_327, %get3A_328] : memref<1x600x128xf32, #tpu.memory_space<vmem>>, vector<1x600x128xf32>
    %get3A_330 = vector.shape_cast %get3A_329 : vector<1x600x128xf32> to vector<600x128xf32>
    %get3A_331 = arith.constant 0 : index
    %get3A_332 = arith.constant 0 : index
    %get3A_333 = arith.constant 0 : index
    %get3A_334 = vector.load %arg5[%get3A_331, %get3A_332, %get3A_333] : memref<1x600x128xf32, #tpu.memory_space<vmem>>, vector<1x600x128xf32>
    %get3A_335 = vector.shape_cast %get3A_334 : vector<1x600x128xf32> to vector<600x128xf32>
    %sub3A_336 = arith.subf %get3A_330, %get3A_320 : vector<600x128xf32>
    %add3A_337 = arith.constant 1.000000e+00 : f32
    %add3A_338 = vector.broadcast %add3A_337 : f32 to vector<600x128xf32>
    %add3A_339 = arith.addf %sub3A_336, %add3A_338 : vector<600x128xf32>
    %sub3A_340 = arith.subf %get3A_335, %get3A_325 : vector<600x128xf32>
    %add3A_341 = arith.constant 1.000000e+00 : f32
    %add3A_342 = vector.broadcast %add3A_341 : f32 to vector<600x128xf32>
    %add3A_343 = arith.addf %sub3A_340, %add3A_342 : vector<600x128xf32>
    %mul3A_344 = arith.constant 5.000000e-01 : f32
    %mul3A_345 = vector.broadcast %mul3A_344 : f32 to vector<600x128xf32>
    %mul3A_346 = arith.mulf %mul3A_345, %add3A_339 : vector<600x128xf32>
    %add3A_347 = arith.addf %get3A_320, %mul3A_346 : vector<600x128xf32>
    %mul3A_348 = arith.constant 5.000000e-01 : f32
    %mul3A_349 = vector.broadcast %mul3A_348 : f32 to vector<600x128xf32>
    %mul3A_350 = arith.mulf %mul3A_349, %add3A_343 : vector<600x128xf32>
    %add3A_351 = arith.addf %get3A_325, %mul3A_350 : vector<600x128xf32>
    %get3A_352 = arith.constant 0 : index
    %get3A_353 = arith.constant 0 : index
    %get3A_354 = arith.constant 0 : index
    %get3A_355 = vector.load %arg6[%get3A_352, %get3A_353, %get3A_354] : memref<1x600x128xf32, #tpu.memory_space<vmem>>, vector<1x600x128xf32>
    %get3A_356 = vector.shape_cast %get3A_355 : vector<1x600x128xf32> to vector<600x128xf32>
    %get3A_357 = arith.constant 0 : index
    %get3A_358 = arith.constant 0 : index
    %get3A_359 = arith.constant 0 : index
    %get3A_360 = vector.load %arg7[%get3A_357, %get3A_358, %get3A_359] : memref<1x600x128xf32, #tpu.memory_space<vmem>>, vector<1x600x128xf32>
    %get3A_361 = vector.shape_cast %get3A_360 : vector<1x600x128xf32> to vector<600x128xf32>
    %get3A_362 = arith.constant 0 : index
    %get3A_363 = arith.constant 0 : index
    %get3A_364 = arith.constant 0 : index
    %get3A_365 = vector.load %arg8[%get3A_362, %get3A_363, %get3A_364] : memref<1x600x128xf32, #tpu.memory_space<vmem>>, vector<1x600x128xf32>
    %get3A_366 = vector.shape_cast %get3A_365 : vector<1x600x128xf32> to vector<600x128xf32>
    %min3A = arith.constant 4.13516665 : f32
    %min3A_367 = vector.broadcast %min3A : f32 to vector<600x128xf32>
    %min3A_368 = arith.minimumf %get3A_366, %min3A_367 : vector<600x128xf32>
    %get3A_369 = arith.constant 0 : index
    %get3A_370 = arith.constant 0 : index
    %get3A_371 = arith.constant 0 : index
    %get3A_372 = vector.load %arg9[%get3A_369, %get3A_370, %get3A_371] : memref<1x600x128xf32, #tpu.memory_space<vmem>>, vector<1x600x128xf32>
    %get3A_373 = vector.shape_cast %get3A_372 : vector<1x600x128xf32> to vector<600x128xf32>
    %min3A_374 = arith.constant 4.13516665 : f32
    %min3A_375 = vector.broadcast %min3A_374 : f32 to vector<600x128xf32>
    %min3A_376 = arith.minimumf %get3A_373, %min3A_375 : vector<600x128xf32>
    %mul3A_377 = arith.mulf %get3A_356, %add3A_339 : vector<600x128xf32>
    %add3A_378 = arith.addf %mul3A_377, %add3A_347 : vector<600x128xf32>
    %mul3A_379 = arith.mulf %get3A_361, %add3A_343 : vector<600x128xf32>
    %add3A_380 = arith.addf %mul3A_379, %add3A_351 : vector<600x128xf32>
    %exp3A = math.exp %min3A_368 : vector<600x128xf32>
    %mul3A_381 = arith.mulf %exp3A, %add3A_339 : vector<600x128xf32>
    %exp3A_382 = math.exp %min3A_376 : vector<600x128xf32>
    %mul3A_383 = arith.mulf %exp3A_382, %add3A_343 : vector<600x128xf32>
    %mul3A_384 = arith.constant 5.000000e-01 : f32
    %mul3A_385 = vector.broadcast %mul3A_384 : f32 to vector<600x128xf32>
    %mul3A_386 = arith.mulf %mul3A_385, %mul3A_381 : vector<600x128xf32>
    %sub3A_387 = arith.subf %add3A_378, %mul3A_386 : vector<600x128xf32>
    %jit3A_388 = arith.constant 0.000000e+00 : f32
    %jit3A_389 = arith.constant 7.990000e+02 : f32
    %max3A = vector.broadcast %jit3A_388 : f32 to vector<600x128xf32>
    %max3A_390 = arith.maximumf %max3A, %sub3A_387 : vector<600x128xf32>
    %min3A_391 = vector.broadcast %jit3A_389 : f32 to vector<600x128xf32>
    %min3A_392 = arith.minimumf %min3A_391, %max3A_390 : vector<600x128xf32>
    %swap3A_393 = arith.constant 0 : index
    %swap3A_394 = arith.constant 0 : index
    %swap3A_395 = arith.constant 0 : index
    %swap3A_396 = vector.load %arg10[%swap3A_393, %swap3A_394, %swap3A_395] : memref<1x600x128xf32, #tpu.memory_space<vmem>>, vector<1x600x128xf32>
    %swap3A_397 = vector.shape_cast %swap3A_396 : vector<1x600x128xf32> to vector<600x128xf32>
    %swap3A_398 = vector.shape_cast %min3A_392 : vector<600x128xf32> to vector<1x600x128xf32>
    tpu.vector_store %arg10[%swap3A_393, %swap3A_394, %swap3A_395], %swap3A_398 {strides = array<i32>} : memref<1x600x128xf32, #tpu.memory_space<vmem>>, vector<1x600x128xf32>,
    %mul3A_399 = arith.constant 5.000000e-01 : f32
    %mul3A_400 = vector.broadcast %mul3A_399 : f32 to vector<600x128xf32>
    %mul3A_401 = arith.mulf %mul3A_400, %mul3A_383 : vector<600x128xf32>
    %sub3A_402 = arith.subf %add3A_380, %mul3A_401 : vector<600x128xf32>
    %jit3A_403 = arith.constant 0.000000e+00 : f32
    %jit3A_404 = arith.constant 7.990000e+02 : f32
    %max3A_405 = vector.broadcast %jit3A_403 : f32 to vector<600x128xf32>
    %max3A_406 = arith.maximumf %max3A_405, %sub3A_402 : vector<600x128xf32>
    %min3A_407 = vector.broadcast %jit3A_404 : f32 to vector<600x128xf32>
    %min3A_408 = arith.minimumf %min3A_407, %max3A_406 : vector<600x128xf32>
    %swap3A_409 = arith.constant 0 : index
    %swap3A_410 = arith.constant 0 : index
    %swap3A_411 = arith.constant 0 : index
    %swap3A_412 = vector.load %arg11[%swap3A_409, %swap3A_410, %swap3A_411] : memref<1x600x128xf32, #tpu.memory_space<vmem>>, vector<1x600x128xf32>
    %swap3A_413 = vector.shape_cast %swap3A_412 : vector<1x600x128xf32> to vector<600x128xf32>
    %swap3A_414 = vector.shape_cast %min3A_408 : vector<600x128xf32> to vector<1x600x128xf32>
    tpu.vector_store %arg11[%swap3A_409, %swap3A_410, %swap3A_411], %swap3A_414 {strides = array<i32>} : memref<1x600x128xf32, #tpu.memory_space<vmem>>, vector<1x600x128xf32>,
    %mul3A_415 = arith.constant 5.000000e-01 : f32
    %mul3A_416 = vector.broadcast %mul3A_415 : f32 to vector<600x128xf32>
    %mul3A_417 = arith.mulf %mul3A_416, %mul3A_381 : vector<600x128xf32>
    %add3A_418 = arith.addf %add3A_378, %mul3A_417 : vector<600x128xf32>
    %sub3A_419 = arith.constant 1.000000e+00 : f32
    %sub3A_420 = vector.broadcast %sub3A_419 : f32 to vector<600x128xf32>
    %sub3A_421 = arith.subf %add3A_418, %sub3A_420 : vector<600x128xf32>
    %jit3A_422 = arith.constant 0.000000e+00 : f32
    %jit3A_423 = arith.constant 7.990000e+02 : f32
    %max3A_424 = vector.broadcast %jit3A_422 : f32 to vector<600x128xf32>
    %max3A_425 = arith.maximumf %max3A_424, %sub3A_421 : vector<600x128xf32>
    %min3A_426 = vector.broadcast %jit3A_423 : f32 to vector<600x128xf32>
    %min3A_427 = arith.minimumf %min3A_426, %max3A_425 : vector<600x128xf32>
    %swap3A_428 = arith.constant 0 : index
    %swap3A_429 = arith.constant 0 : index
    %swap3A_430 = arith.constant 0 : index
    %swap3A_431 = vector.load %arg12[%swap3A_428, %swap3A_429, %swap3A_430] : memref<1x600x128xf32, #tpu.memory_space<vmem>>, vector<1x600x128xf32>
    %swap3A_432 = vector.shape_cast %swap3A_431 : vector<1x600x128xf32> to vector<600x128xf32>
    %swap3A_433 = vector.shape_cast %min3A_427 : vector<600x128xf32> to vector<1x600x128xf32>
    tpu.vector_store %arg12[%swap3A_428, %swap3A_429, %swap3A_430], %swap3A_433 {strides = array<i32>} : memref<1x600x128xf32, #tpu.memory_space<vmem>>, vector<1x600x128xf32>,
    %mul3A_434 = arith.constant 5.000000e-01 : f32
    %mul3A_435 = vector.broadcast %mul3A_434 : f32 to vector<600x128xf32>
    %mul3A_436 = arith.mulf %mul3A_435, %mul3A_383 : vector<600x128xf32>
    %add3A_437 = arith.addf %add3A_380, %mul3A_436 : vector<600x128xf32>
    %sub3A_438 = arith.constant 1.000000e+00 : f32
    %sub3A_439 = vector.broadcast %sub3A_438 : f32 to vector<600x128xf32>
    %sub3A_440 = arith.subf %add3A_437, %sub3A_439 : vector<600x128xf32>
    %jit3A_441 = arith.constant 0.000000e+00 : f32
    %jit3A_442 = arith.constant 7.990000e+02 : f32
    %max3A_443 = vector.broadcast %jit3A_441 : f32 to vector<600x128xf32>
    %max3A_444 = arith.maximumf %max3A_443, %sub3A_440 : vector<600x128xf32>
    %min3A_445 = vector.broadcast %jit3A_442 : f32 to vector<600x128xf32>
    %min3A_446 = arith.minimumf %min3A_445, %max3A_444 : vector<600x128xf32>
    %swap3A_447 = arith.constant 0 : index
    %swap3A_448 = arith.constant 0 : index
    %swap3A_449 = arith.constant 0 : index
    %swap3A_450 = vector.load %arg13[%swap3A_447, %swap3A_448, %swap3A_449] : memref<1x600x128xf32, #tpu.memory_space<vmem>>, vector<1x600x128xf32>
    %swap3A_451 = vector.shape_cast %swap3A_450 : vector<1x600x128xf32> to vector<600x128xf32>
    %swap3A_452 = vector.shape_cast %min3A_446 : vector<600x128xf32> to vector<1x600x128xf32>
    tpu.vector_store %arg13[%swap3A_447, %swap3A_448, %swap3A_449], %swap3A_452 {strides = array<i32>} : memref<1x600x128xf32, #tpu.memory_space<vmem>>, vector<1x600x128xf32>,
    return
  }
  func.func @transform_0(%arg0: i32) -> (i32, i32, i32) {
    %c0_i32 = arith.constant 0 : i32
    %c0_i32_0 = arith.constant 0 : i32
    %c0_i32_1 = arith.constant 0 : i32
    return %arg0, %c0_i32, %c0_i32_0 : i32, i32, i32
  }
  func.func @transform_1(%arg0: i32) -> (i32, i32, i32) {
    %c0_i32 = arith.constant 0 : i32
    %c0_i32_0 = arith.constant 0 : i32
    %c0_i32_1 = arith.constant 0 : i32
    return %arg0, %c0_i32, %c0_i32_0 : i32, i32, i32
  }
  func.func @transform_2(%arg0: i32) -> (i32, i32, i32) {
    %c0_i32 = arith.constant 0 : i32
    %c0_i32_0 = arith.constant 0 : i32
    %c0_i32_1 = arith.constant 0 : i32
    return %arg0, %c0_i32, %c0_i32_0 : i32, i32, i32
  }
  func.func @transform_3(%arg0: i32) -> (i32, i32, i32) {
    %c0_i32 = arith.constant 0 : i32
    %c0_i32_0 = arith.constant 0 : i32
    %c0_i32_1 = arith.constant 0 : i32
    return %arg0, %c0_i32, %c0_i32_0 : i32, i32, i32
  }
  func.func @transform_4(%arg0: i32) -> (i32, i32, i32) {
    %c0_i32 = arith.constant 0 : i32
    %c0_i32_0 = arith.constant 0 : i32
    %c0_i32_1 = arith.constant 0 : i32
    return %arg0, %c0_i32, %c0_i32_0 : i32, i32, i32
  }
  func.func @transform_5(%arg0: i32) -> (i32, i32, i32) {
    %c0_i32 = arith.constant 0 : i32
    %c0_i32_0 = arith.constant 0 : i32
    %c0_i32_1 = arith.constant 0 : i32
    return %arg0, %c0_i32, %c0_i32_0 : i32, i32, i32
  }
  func.func @transform_6(%arg0: i32) -> (i32, i32, i32) {
    %c0_i32 = arith.constant 0 : i32
    %c0_i32_0 = arith.constant 0 : i32
    %c0_i32_1 = arith.constant 0 : i32
    return %arg0, %c0_i32, %c0_i32_0 : i32, i32, i32
  }
  func.func @transform_7(%arg0: i32) -> (i32, i32, i32) {
    %c0_i32 = arith.constant 0 : i32
    %c0_i32_0 = arith.constant 0 : i32
    %c0_i32_1 = arith.constant 0 : i32
    return %arg0, %c0_i32, %c0_i32_0 : i32, i32, i32
  }
  func.func @transform_8(%arg0: i32) -> (i32, i32, i32) {
    %c0_i32 = arith.constant 0 : i32
    %c0_i32_0 = arith.constant 0 : i32
    %c0_i32_1 = arith.constant 0 : i32
    return %arg0, %c0_i32, %c0_i32_0 : i32, i32, i32
  }
  func.func @transform_9(%arg0: i32) -> (i32, i32, i32) {
    %c0_i32 = arith.constant 0 : i32
    %c0_i32_0 = arith.constant 0 : i32
    %c0_i32_1 = arith.constant 0 : i32
    return %arg0, %c0_i32, %c0_i32_0 : i32, i32, i32
  }
  func.func @transform_10(%arg0: i32) -> (i32, i32, i32) {
    %c0_i32 = arith.constant 0 : i32
    %c0_i32_0 = arith.constant 0 : i32
    %c0_i32_1 = arith.constant 0 : i32
    return %arg0, %c0_i32, %c0_i32_0 : i32, i32, i32
  }
  func.func @transform_11(%arg0: i32) -> (i32, i32, i32) {
    %c0_i32 = arith.constant 0 : i32
    %c0_i32_0 = arith.constant 0 : i32
    %c0_i32_1 = arith.constant 0 : i32
    return %arg0, %c0_i32, %c0_i32_0 : i32, i32, i32
  }
  func.func @transform_12(%arg0: i32) -> (i32, i32, i32) {
    %c0_i32 = arith.constant 0 : i32
    %c0_i32_0 = arith.constant 0 : i32
    %c0_i32_1 = arith.constant 0 : i32
    return %arg0, %c0_i32, %c0_i32_0 : i32, i32, i32
  }
  func.func @transform_13(%arg0: i32) -> (i32, i32, i32) {
    %c0_i32 = arith.constant 0 : i32
    %c0_i32_0 = arith.constant 0 : i32
    %c0_i32_1 = arith.constant 0 : i32
    return %arg0, %c0_i32, %c0_i32_0 : i32, i32, i32
  }
}

module attributes {stable_mosaic.version = 14 : i64} {
  func.func @_nms_body(%arg0: i32, %arg1: memref<1x50x128xf32, #tpu.memory_space<vmem>>, %arg2: memref<1x50x128xf32, #tpu.memory_space<vmem>>, %arg3: memref<1x50x128xf32, #tpu.memory_space<vmem>>, %arg4: memref<1x50x128xf32, #tpu.memory_space<vmem>>, %arg5: memref<1x50x128xf32, #tpu.memory_space<vmem>>, %arg6: memref<1x1000x8xf32, #tpu.memory_space<vmem>>, %arg7: memref<50x128xf32, #tpu.memory_space<vmem>>, %arg8: memref<50x128xf32, #tpu.memory_space<vmem>>) attributes {dimension_semantics = [#tpu.dimension_semantics<arbitrary>], iteration_bounds = array<i64: 2>, scalar_prefetch = 0 : i64, scratch_operands = 2 : i64, tpu.core_type = #tpu.core_type<tc>, window_params = [{transform_indices = @transform_0, window_bounds = array<i64: 1, 50, 128>}, {transform_indices = @transform_1, window_bounds = array<i64: 1, 50, 128>}, {transform_indices = @transform_2, window_bounds = array<i64: 1, 50, 128>}, {transform_indices = @transform_3, window_bounds = array<i64: 1, 50, 128>}, {transform_indices = @transform_4, window_bounds = array<i64: 1, 50, 128>}, {transform_indices = @transform_5, window_bounds = array<i64: 1, 1000, 8>}]} {
    %iota3A = tpu.iota {dimensions = array<i32: 0>} : vector<50x128xi32>
    %iota3A_0 = tpu.iota {dimensions = array<i32: 1>} : vector<50x128xi32>
    %mul3A = arith.constant 128 : i32
    %mul3A_1 = vector.broadcast %mul3A : i32 to vector<50x128xi32>
    %mul3A_2 = arith.muli %iota3A, %mul3A_1 : vector<50x128xi32>
    %add3A = arith.addi %mul3A_2, %iota3A_0 : vector<50x128xi32>
    %lt3A = arith.constant 6000 : i32
    %lt3A_3 = vector.broadcast %lt3A : i32 to vector<50x128xi32>
    %lt3A_4 = arith.cmpi slt, %add3A, %lt3A_3 : vector<50x128xi32>
    %get3A = arith.constant 0 : index
    %get3A_5 = arith.constant 0 : index
    %get3A_6 = arith.constant 0 : index
    %get3A_7 = vector.load %arg5[%get3A, %get3A_5, %get3A_6] : memref<1x50x128xf32, #tpu.memory_space<vmem>>, vector<1x50x128xf32>
    %get3A_8 = vector.shape_cast %get3A_7 : vector<1x50x128xf32> to vector<50x128xf32>
    %jit3A = arith.constant -1.000000e+00 : f32
    %broadcast_in_dim3A = vector.broadcast %jit3A : f32 to vector<50x128xf32>
    %select_n3A = arith.select %lt3A_4, %get3A_8, %broadcast_in_dim3A : vector<50x128xi1>, vector<50x128xf32>
    %swap3A = arith.constant 0 : index
    %swap3A_9 = arith.constant 0 : index
    %swap3A_10 = vector.load %arg7[%swap3A, %swap3A_9] : memref<50x128xf32, #tpu.memory_space<vmem>>, vector<50x128xf32>
    tpu.vector_store %arg7[%swap3A, %swap3A_9], %select_n3A {strides = array<i32>} : memref<50x128xf32, #tpu.memory_space<vmem>>, vector<50x128xf32>,
    %get3A_11 = arith.constant 0 : index
    %get3A_12 = arith.constant 0 : index
    %get3A_13 = arith.constant 0 : index
    %get3A_14 = vector.load %arg1[%get3A_11, %get3A_12, %get3A_13] : memref<1x50x128xf32, #tpu.memory_space<vmem>>, vector<1x50x128xf32>
    %get3A_15 = vector.shape_cast %get3A_14 : vector<1x50x128xf32> to vector<50x128xf32>
    %get3A_16 = arith.constant 0 : index
    %get3A_17 = arith.constant 0 : index
    %get3A_18 = arith.constant 0 : index
    %get3A_19 = vector.load %arg2[%get3A_16, %get3A_17, %get3A_18] : memref<1x50x128xf32, #tpu.memory_space<vmem>>, vector<1x50x128xf32>
    %get3A_20 = vector.shape_cast %get3A_19 : vector<1x50x128xf32> to vector<50x128xf32>
    %get3A_21 = arith.constant 0 : index
    %get3A_22 = arith.constant 0 : index
    %get3A_23 = arith.constant 0 : index
    %get3A_24 = vector.load %arg3[%get3A_21, %get3A_22, %get3A_23] : memref<1x50x128xf32, #tpu.memory_space<vmem>>, vector<1x50x128xf32>
    %get3A_25 = vector.shape_cast %get3A_24 : vector<1x50x128xf32> to vector<50x128xf32>
    %get3A_26 = arith.constant 0 : index
    %get3A_27 = arith.constant 0 : index
    %get3A_28 = arith.constant 0 : index
    %get3A_29 = vector.load %arg4[%get3A_26, %get3A_27, %get3A_28] : memref<1x50x128xf32, #tpu.memory_space<vmem>>, vector<1x50x128xf32>
    %get3A_30 = vector.shape_cast %get3A_29 : vector<1x50x128xf32> to vector<50x128xf32>
    %sub3A = arith.subf %get3A_25, %get3A_15 : vector<50x128xf32>
    %add3A_31 = arith.constant 1.000000e+00 : f32
    %add3A_32 = vector.broadcast %add3A_31 : f32 to vector<50x128xf32>
    %add3A_33 = arith.addf %sub3A, %add3A_32 : vector<50x128xf32>
    %sub3A_34 = arith.subf %get3A_30, %get3A_20 : vector<50x128xf32>
    %add3A_35 = arith.constant 1.000000e+00 : f32
    %add3A_36 = vector.broadcast %add3A_35 : f32 to vector<50x128xf32>
    %add3A_37 = arith.addf %sub3A_34, %add3A_36 : vector<50x128xf32>
    %mul3A_38 = arith.mulf %add3A_33, %add3A_37 : vector<50x128xf32>
    %swap3A_39 = arith.constant 0 : index
    %swap3A_40 = arith.constant 0 : index
    %swap3A_41 = vector.load %arg8[%swap3A_39, %swap3A_40] : memref<50x128xf32, #tpu.memory_space<vmem>>, vector<50x128xf32>
    tpu.vector_store %arg8[%swap3A_39, %swap3A_40], %mul3A_38 {strides = array<i32>} : memref<50x128xf32, #tpu.memory_space<vmem>>, vector<50x128xf32>,
    %iota3A_42 = tpu.iota {dimensions = array<i32: 1>} : vector<1x128xi32>
    %iota3A_43 = tpu.iota {dimensions = array<i32: 1>} : vector<1x8xi32>
    %scan3A = arith.constant 0 : i32
    %scan3A_44 = arith.constant 1000 : i32
    %scan3A_45 = arith.addi %scan3A, %scan3A_44 : i32
    %scan3A_46 = arith.constant 1 : i32
    scf.for %scan3A_48 = %scan3A to %scan3A_45 step %scan3A_46  : i32 {
      %get3A_49 = arith.constant 0 : index
      %get3A_50 = arith.constant 0 : index
      %get3A_51 = vector.load %arg7[%get3A_49, %get3A_50] : memref<50x128xf32, #tpu.memory_space<vmem>>, vector<50x128xf32>
      %reduce_max3A = vector.shape_cast %get3A_51 : vector<50x128xf32> to vector<1x50x128xf32>
      %reduce_max3A_52 = arith.constant dense<0xFF800000> : vector<1xf32>
      %reduce_max3A_53 = vector.multi_reduction <maximumf>, %reduce_max3A, %reduce_max3A_52 [1, 2] : vector<1x50x128xf32> to vector<1xf32>
      %reduce_max3A_54 = vector.shape_cast %reduce_max3A_53 : vector<1xf32> to vector<1x1x1xf32>
      %reduce_max3A_55 = vector.extract %reduce_max3A_54[0, 0, 0] : f32 from vector<1x1x1xf32>
      %eq3A = vector.broadcast %reduce_max3A_55 : f32 to vector<50x128xf32>
      %eq3A_56 = arith.cmpf oeq, %get3A_51, %eq3A : vector<50x128xf32>
      %jit3A_57 = arith.constant 6400 : i32
      %broadcast_in_dim3A_58 = vector.broadcast %jit3A_57 : i32 to vector<50x128xi32>
      %select_n3A_59 = arith.select %eq3A_56, %add3A, %broadcast_in_dim3A_58 : vector<50x128xi1>, vector<50x128xi32>
      %reduce_min3A = vector.shape_cast %select_n3A_59 : vector<50x128xi32> to vector<1x50x128xi32>
      %reduce_min3A_60 = arith.constant dense<2147483647> : vector<1xi32>
      %reduce_min3A_61 = vector.multi_reduction <minsi>, %reduce_min3A, %reduce_min3A_60 [1, 2] : vector<1x50x128xi32> to vector<1xi32>
      %reduce_min3A_62 = vector.shape_cast %reduce_min3A_61 : vector<1xi32> to vector<1x1x1xi32>
      %reduce_min3A_63 = vector.extract %reduce_min3A_62[0, 0, 0] : i32 from vector<1x1x1xi32>
      %gt3A = arith.constant 0.000000e+00 : f32
      %gt3A_64 = arith.cmpf ogt, %reduce_max3A_55, %gt3A : f32
      %jit3A_65 = arith.constant 128 : i32
      %div3A = arith.divsi %reduce_min3A_63, %jit3A_65 : i32
      %sign3A = arith.constant 0 : i32
      %sign3A_66 = arith.cmpi sgt, %reduce_min3A_63, %sign3A : i32
      %sign3A_67 = arith.extui %sign3A_66 : i1 to i32
      %sign3A_68 = arith.constant 0 : i32
      %sign3A_69 = arith.cmpi slt, %reduce_min3A_63, %sign3A_68 : i32
      %sign3A_70 = arith.extui %sign3A_69 : i1 to i32
      %sign3A_71 = arith.subi %sign3A_67, %sign3A_70 : i32
      %sign3A_72 = arith.constant 0 : i32
      %sign3A_73 = arith.cmpi sgt, %jit3A_65, %sign3A_72 : i32
      %sign3A_74 = arith.extui %sign3A_73 : i1 to i32
      %sign3A_75 = arith.constant 0 : i32
      %sign3A_76 = arith.cmpi slt, %jit3A_65, %sign3A_75 : i32
      %sign3A_77 = arith.extui %sign3A_76 : i1 to i32
      %sign3A_78 = arith.subi %sign3A_74, %sign3A_77 : i32
      %ne3A = arith.cmpi ne, %sign3A_71, %sign3A_78 : i32
      %rem3A = arith.remsi %reduce_min3A_63, %jit3A_65 : i32
      %ne3A_79 = arith.constant 0 : i32
      %ne3A_80 = arith.cmpi ne, %rem3A, %ne3A_79 : i32
      %and3A = arith.andi %ne3A, %ne3A_80 : i1
      %sub3A_81 = arith.constant 1 : i32
      %sub3A_82 = arith.subi %div3A, %sub3A_81 : i32
      %select_n3A_83 = arith.select %and3A, %sub3A_82, %div3A : i32
      %jit3A_84 = arith.constant 128 : i32
      %eq3A_85 = arith.constant 0 : i32
      %eq3A_86 = arith.cmpi eq, %jit3A_84, %eq3A_85 : i32
      %jit3A_87 = arith.constant 1 : i32
      %select_n3A_88 = arith.select %eq3A_86, %jit3A_87, %jit3A_84 : i32
      %rem3A_89 = arith.remsi %reduce_min3A_63, %select_n3A_88 : i32
      %ne3A_90 = arith.constant 0 : i32
      %ne3A_91 = arith.cmpi ne, %rem3A_89, %ne3A_90 : i32
      %lt3A_92 = arith.constant 0 : i32
      %lt3A_93 = arith.cmpi slt, %rem3A_89, %lt3A_92 : i32
      %lt3A_94 = arith.constant 0 : i32
      %lt3A_95 = arith.cmpi slt, %select_n3A_88, %lt3A_94 : i32
      %ne3A_96 = arith.xori %lt3A_93, %lt3A_95 : i1
      %and3A_97 = arith.andi %ne3A_96, %ne3A_91 : i1
      %add3A_98 = arith.addi %rem3A_89, %select_n3A_88 : i32
      %select_n3A_99 = arith.select %and3A_97, %add3A_98, %rem3A_89 : i32
      %eq3A_100 = vector.broadcast %select_n3A_99 : i32 to vector<1x128xi32>
      %eq3A_101 = arith.cmpi eq, %iota3A_42, %eq3A_100 : vector<1x128xi32>
      %get3A_102 = arith.constant 0 : index
      %get3A_103 = arith.index_cast %select_n3A_83 : i32 to index
      %get3A_104 = arith.constant 0 : index
      %get3A_105 = vector.load %arg1[%get3A_102, %get3A_103, %get3A_104] : memref<1x50x128xf32, #tpu.memory_space<vmem>>, vector<1x1x128xf32>
      %get3A_106 = vector.shape_cast %get3A_105 : vector<1x1x128xf32> to vector<1x128xf32>
      %jit3A_107 = arith.constant 0.000000e+00 : f32
      %broadcast_in_dim3A_108 = vector.broadcast %jit3A_107 : f32 to vector<1x128xf32>
      %select_n3A_109 = arith.select %eq3A_101, %get3A_106, %broadcast_in_dim3A_108 : vector<1x128xi1>, vector<1x128xf32>
      %reduce_sum3A = vector.shape_cast %select_n3A_109 : vector<1x128xf32> to vector<1x1x128xf32>
      %reduce_sum3A_110 = arith.constant dense<0.000000e+00> : vector<1xf32>
      %reduce_sum3A_111 = vector.multi_reduction <add>, %reduce_sum3A, %reduce_sum3A_110 [1, 2] : vector<1x1x128xf32> to vector<1xf32>
      %reduce_sum3A_112 = vector.shape_cast %reduce_sum3A_111 : vector<1xf32> to vector<1x1x1xf32>
      %reduce_sum3A_113 = vector.extract %reduce_sum3A_112[0, 0, 0] : f32 from vector<1x1x1xf32>
      %get3A_114 = arith.constant 0 : index
      %get3A_115 = arith.index_cast %select_n3A_83 : i32 to index
      %get3A_116 = arith.constant 0 : index
      %get3A_117 = vector.load %arg2[%get3A_114, %get3A_115, %get3A_116] : memref<1x50x128xf32, #tpu.memory_space<vmem>>, vector<1x1x128xf32>
      %get3A_118 = vector.shape_cast %get3A_117 : vector<1x1x128xf32> to vector<1x128xf32>
      %jit3A_119 = arith.constant 0.000000e+00 : f32
      %broadcast_in_dim3A_120 = vector.broadcast %jit3A_119 : f32 to vector<1x128xf32>
      %select_n3A_121 = arith.select %eq3A_101, %get3A_118, %broadcast_in_dim3A_120 : vector<1x128xi1>, vector<1x128xf32>
      %reduce_sum3A_122 = vector.shape_cast %select_n3A_121 : vector<1x128xf32> to vector<1x1x128xf32>
      %reduce_sum3A_123 = arith.constant dense<0.000000e+00> : vector<1xf32>
      %reduce_sum3A_124 = vector.multi_reduction <add>, %reduce_sum3A_122, %reduce_sum3A_123 [1, 2] : vector<1x1x128xf32> to vector<1xf32>
      %reduce_sum3A_125 = vector.shape_cast %reduce_sum3A_124 : vector<1xf32> to vector<1x1x1xf32>
      %reduce_sum3A_126 = vector.extract %reduce_sum3A_125[0, 0, 0] : f32 from vector<1x1x1xf32>
      %get3A_127 = arith.constant 0 : index
      %get3A_128 = arith.index_cast %select_n3A_83 : i32 to index
      %get3A_129 = arith.constant 0 : index
      %get3A_130 = vector.load %arg3[%get3A_127, %get3A_128, %get3A_129] : memref<1x50x128xf32, #tpu.memory_space<vmem>>, vector<1x1x128xf32>
      %get3A_131 = vector.shape_cast %get3A_130 : vector<1x1x128xf32> to vector<1x128xf32>
      %jit3A_132 = arith.constant 0.000000e+00 : f32
      %broadcast_in_dim3A_133 = vector.broadcast %jit3A_132 : f32 to vector<1x128xf32>
      %select_n3A_134 = arith.select %eq3A_101, %get3A_131, %broadcast_in_dim3A_133 : vector<1x128xi1>, vector<1x128xf32>
      %reduce_sum3A_135 = vector.shape_cast %select_n3A_134 : vector<1x128xf32> to vector<1x1x128xf32>
      %reduce_sum3A_136 = arith.constant dense<0.000000e+00> : vector<1xf32>
      %reduce_sum3A_137 = vector.multi_reduction <add>, %reduce_sum3A_135, %reduce_sum3A_136 [1, 2] : vector<1x1x128xf32> to vector<1xf32>
      %reduce_sum3A_138 = vector.shape_cast %reduce_sum3A_137 : vector<1xf32> to vector<1x1x1xf32>
      %reduce_sum3A_139 = vector.extract %reduce_sum3A_138[0, 0, 0] : f32 from vector<1x1x1xf32>
      %get3A_140 = arith.constant 0 : index
      %get3A_141 = arith.index_cast %select_n3A_83 : i32 to index
      %get3A_142 = arith.constant 0 : index
      %get3A_143 = vector.load %arg4[%get3A_140, %get3A_141, %get3A_142] : memref<1x50x128xf32, #tpu.memory_space<vmem>>, vector<1x1x128xf32>
      %get3A_144 = vector.shape_cast %get3A_143 : vector<1x1x128xf32> to vector<1x128xf32>
      %jit3A_145 = arith.constant 0.000000e+00 : f32
      %broadcast_in_dim3A_146 = vector.broadcast %jit3A_145 : f32 to vector<1x128xf32>
      %select_n3A_147 = arith.select %eq3A_101, %get3A_144, %broadcast_in_dim3A_146 : vector<1x128xi1>, vector<1x128xf32>
      %reduce_sum3A_148 = vector.shape_cast %select_n3A_147 : vector<1x128xf32> to vector<1x1x128xf32>
      %reduce_sum3A_149 = arith.constant dense<0.000000e+00> : vector<1xf32>
      %reduce_sum3A_150 = vector.multi_reduction <add>, %reduce_sum3A_148, %reduce_sum3A_149 [1, 2] : vector<1x1x128xf32> to vector<1xf32>
      %reduce_sum3A_151 = vector.shape_cast %reduce_sum3A_150 : vector<1xf32> to vector<1x1x1xf32>
      %reduce_sum3A_152 = vector.extract %reduce_sum3A_151[0, 0, 0] : f32 from vector<1x1x1xf32>
      %get3A_153 = arith.index_cast %select_n3A_83 : i32 to index
      %get3A_154 = arith.constant 0 : index
      %get3A_155 = vector.load %arg8[%get3A_153, %get3A_154] : memref<50x128xf32, #tpu.memory_space<vmem>>, vector<1x128xf32>
      %jit3A_156 = arith.constant 0.000000e+00 : f32
      %broadcast_in_dim3A_157 = vector.broadcast %jit3A_156 : f32 to vector<1x128xf32>
      %select_n3A_158 = arith.select %eq3A_101, %get3A_155, %broadcast_in_dim3A_157 : vector<1x128xi1>, vector<1x128xf32>
      %reduce_sum3A_159 = vector.shape_cast %select_n3A_158 : vector<1x128xf32> to vector<1x1x128xf32>
      %reduce_sum3A_160 = arith.constant dense<0.000000e+00> : vector<1xf32>
      %reduce_sum3A_161 = vector.multi_reduction <add>, %reduce_sum3A_159, %reduce_sum3A_160 [1, 2] : vector<1x1x128xf32> to vector<1xf32>
      %reduce_sum3A_162 = vector.shape_cast %reduce_sum3A_161 : vector<1xf32> to vector<1x1x1xf32>
      %reduce_sum3A_163 = vector.extract %reduce_sum3A_162[0, 0, 0] : f32 from vector<1x1x1xf32>
      %max3A = vector.broadcast %reduce_sum3A_113 : f32 to vector<50x128xf32>
      %max3A_164 = arith.maximumf %max3A, %get3A_15 : vector<50x128xf32>
      %max3A_165 = vector.broadcast %reduce_sum3A_126 : f32 to vector<50x128xf32>
      %max3A_166 = arith.maximumf %max3A_165, %get3A_20 : vector<50x128xf32>
      %min3A = vector.broadcast %reduce_sum3A_139 : f32 to vector<50x128xf32>
      %min3A_167 = arith.minimumf %min3A, %get3A_25 : vector<50x128xf32>
      %min3A_168 = vector.broadcast %reduce_sum3A_152 : f32 to vector<50x128xf32>
      %min3A_169 = arith.minimumf %min3A_168, %get3A_30 : vector<50x128xf32>
      %sub3A_170 = arith.subf %min3A_167, %max3A_164 : vector<50x128xf32>
      %add3A_171 = arith.constant 1.000000e+00 : f32
      %add3A_172 = vector.broadcast %add3A_171 : f32 to vector<50x128xf32>
      %add3A_173 = arith.addf %sub3A_170, %add3A_172 : vector<50x128xf32>
      %max3A_174 = arith.constant 0.000000e+00 : f32
      %max3A_175 = vector.broadcast %max3A_174 : f32 to vector<50x128xf32>
      %max3A_176 = arith.maximumf %add3A_173, %max3A_175 : vector<50x128xf32>
      %sub3A_177 = arith.subf %min3A_169, %max3A_166 : vector<50x128xf32>
      %add3A_178 = arith.constant 1.000000e+00 : f32
      %add3A_179 = vector.broadcast %add3A_178 : f32 to vector<50x128xf32>
      %add3A_180 = arith.addf %sub3A_177, %add3A_179 : vector<50x128xf32>
      %max3A_181 = arith.constant 0.000000e+00 : f32
      %max3A_182 = vector.broadcast %max3A_181 : f32 to vector<50x128xf32>
      %max3A_183 = arith.maximumf %add3A_180, %max3A_182 : vector<50x128xf32>
      %mul3A_184 = arith.mulf %max3A_176, %max3A_183 : vector<50x128xf32>
      %get3A_185 = arith.constant 0 : index
      %get3A_186 = arith.constant 0 : index
      %get3A_187 = vector.load %arg8[%get3A_185, %get3A_186] : memref<50x128xf32, #tpu.memory_space<vmem>>, vector<50x128xf32>
      %add3A_188 = vector.broadcast %reduce_sum3A_163 : f32 to vector<50x128xf32>
      %add3A_189 = arith.addf %add3A_188, %get3A_187 : vector<50x128xf32>
      %sub3A_190 = arith.subf %add3A_189, %mul3A_184 : vector<50x128xf32>
      %div3A_191 = arith.divf %mul3A_184, %sub3A_190 : vector<50x128xf32>
      %gt3A_192 = arith.constant 0.699999988 : f32
      %gt3A_193 = vector.broadcast %gt3A_192 : f32 to vector<50x128xf32>
      %gt3A_194 = arith.cmpf ogt, %div3A_191, %gt3A_193 : vector<50x128xf32>
      %eq3A_195 = vector.broadcast %reduce_min3A_63 : i32 to vector<50x128xi32>
      %eq3A_196 = arith.cmpi eq, %add3A, %eq3A_195 : vector<50x128xi32>
      %or3A = arith.ori %gt3A_194, %eq3A_196 : vector<50x128xi1>
      %and3A_197 = vector.broadcast %gt3A_64 : i1 to vector<50x128xi1>
      %and3A_198 = arith.andi %or3A, %and3A_197 : vector<50x128xi1>
      %jit3A_199 = arith.constant -1.000000e+00 : f32
      %broadcast_in_dim3A_200 = vector.broadcast %jit3A_199 : f32 to vector<50x128xf32>
      %select_n3A_201 = arith.select %and3A_198, %broadcast_in_dim3A_200, %get3A_51 : vector<50x128xi1>, vector<50x128xf32>
      %swap3A_202 = arith.constant 0 : index
      %swap3A_203 = arith.constant 0 : index
      %swap3A_204 = vector.load %arg7[%swap3A_202, %swap3A_203] : memref<50x128xf32, #tpu.memory_space<vmem>>, vector<50x128xf32>
      tpu.vector_store %arg7[%swap3A_202, %swap3A_203], %select_n3A_201 {strides = array<i32>} : memref<50x128xf32, #tpu.memory_space<vmem>>, vector<50x128xf32>,
      %broadcast_in_dim3A_205 = arith.constant 0.000000e+00 : f32
      %broadcast_in_dim3A_206 = vector.broadcast %broadcast_in_dim3A_205 : f32 to vector<1x8xf32>
      %eq3A_207 = arith.constant 0 : i32
      %eq3A_208 = vector.broadcast %eq3A_207 : i32 to vector<1x8xi32>
      %eq3A_209 = arith.cmpi eq, %iota3A_43, %eq3A_208 : vector<1x8xi32>
      %broadcast_in_dim3A_210 = vector.broadcast %reduce_sum3A_113 : f32 to vector<1x8xf32>
      %select_n3A_211 = arith.select %eq3A_209, %broadcast_in_dim3A_210, %broadcast_in_dim3A_206 : vector<1x8xi1>, vector<1x8xf32>
      %eq3A_212 = arith.constant 1 : i32
      %eq3A_213 = vector.broadcast %eq3A_212 : i32 to vector<1x8xi32>
      %eq3A_214 = arith.cmpi eq, %iota3A_43, %eq3A_213 : vector<1x8xi32>
      %broadcast_in_dim3A_215 = vector.broadcast %reduce_sum3A_126 : f32 to vector<1x8xf32>
      %select_n3A_216 = arith.select %eq3A_214, %broadcast_in_dim3A_215, %select_n3A_211 : vector<1x8xi1>, vector<1x8xf32>
      %eq3A_217 = arith.constant 2 : i32
      %eq3A_218 = vector.broadcast %eq3A_217 : i32 to vector<1x8xi32>
      %eq3A_219 = arith.cmpi eq, %iota3A_43, %eq3A_218 : vector<1x8xi32>
      %broadcast_in_dim3A_220 = vector.broadcast %reduce_sum3A_139 : f32 to vector<1x8xf32>
      %select_n3A_221 = arith.select %eq3A_219, %broadcast_in_dim3A_220, %select_n3A_216 : vector<1x8xi1>, vector<1x8xf32>
      %eq3A_222 = arith.constant 3 : i32
      %eq3A_223 = vector.broadcast %eq3A_222 : i32 to vector<1x8xi32>
      %eq3A_224 = arith.cmpi eq, %iota3A_43, %eq3A_223 : vector<1x8xi32>
      %broadcast_in_dim3A_225 = vector.broadcast %reduce_sum3A_152 : f32 to vector<1x8xf32>
      %select_n3A_226 = arith.select %eq3A_224, %broadcast_in_dim3A_225, %select_n3A_221 : vector<1x8xi1>, vector<1x8xf32>
      %eq3A_227 = arith.constant 4 : i32
      %eq3A_228 = vector.broadcast %eq3A_227 : i32 to vector<1x8xi32>
      %eq3A_229 = arith.cmpi eq, %iota3A_43, %eq3A_228 : vector<1x8xi32>
      %broadcast_in_dim3A_230 = vector.broadcast %reduce_max3A_55 : f32 to vector<1x8xf32>
      %select_n3A_231 = arith.select %eq3A_229, %broadcast_in_dim3A_230, %select_n3A_226 : vector<1x8xi1>, vector<1x8xf32>
      %eq3A_232 = arith.constant 5 : i32
      %eq3A_233 = vector.broadcast %eq3A_232 : i32 to vector<1x8xi32>
      %eq3A_234 = arith.cmpi eq, %iota3A_43, %eq3A_233 : vector<1x8xi32>
      %jit3A_235 = arith.constant 1.000000e+00 : f32
      %broadcast_in_dim3A_236 = vector.broadcast %jit3A_235 : f32 to vector<1x8xf32>
      %select_n3A_237 = arith.select %eq3A_234, %broadcast_in_dim3A_236, %select_n3A_231 : vector<1x8xi1>, vector<1x8xf32>
      %jit3A_238 = arith.constant 0.000000e+00 : f32
      %broadcast_in_dim3A_239 = vector.broadcast %jit3A_238 : f32 to vector<1x8xf32>
      %select_n3A_240 = arith.select %gt3A_64, %select_n3A_237, %broadcast_in_dim3A_239 : vector<1x8xf32>
      %swap3A_241 = arith.constant 0 : index
      %swap3A_242 = arith.index_cast %scan3A_48 : i32 to index
      %swap3A_243 = arith.constant 0 : index
      %swap3A_244 = vector.load %arg6[%swap3A_241, %swap3A_242, %swap3A_243] : memref<1x1000x8xf32, #tpu.memory_space<vmem>>, vector<1x1x8xf32>
      %swap3A_245 = vector.shape_cast %swap3A_244 : vector<1x1x8xf32> to vector<1x8xf32>
      %swap3A_246 = vector.shape_cast %select_n3A_240 : vector<1x8xf32> to vector<1x1x8xf32>
      tpu.vector_store %arg6[%swap3A_241, %swap3A_242, %swap3A_243], %swap3A_246 {strides = array<i32>} : memref<1x1000x8xf32, #tpu.memory_space<vmem>>, vector<1x1x8xf32>,
    }
    %scan3A_47 = arith.constant 1000 : i32
    return
  }
  func.func @transform_0(%arg0: i32) -> (i32, i32, i32) {
    %c0_i32 = arith.constant 0 : i32
    %c0_i32_0 = arith.constant 0 : i32
    %c0_i32_1 = arith.constant 0 : i32
    return %arg0, %c0_i32, %c0_i32_0 : i32, i32, i32
  }
  func.func @transform_1(%arg0: i32) -> (i32, i32, i32) {
    %c0_i32 = arith.constant 0 : i32
    %c0_i32_0 = arith.constant 0 : i32
    %c0_i32_1 = arith.constant 0 : i32
    return %arg0, %c0_i32, %c0_i32_0 : i32, i32, i32
  }
  func.func @transform_2(%arg0: i32) -> (i32, i32, i32) {
    %c0_i32 = arith.constant 0 : i32
    %c0_i32_0 = arith.constant 0 : i32
    %c0_i32_1 = arith.constant 0 : i32
    return %arg0, %c0_i32, %c0_i32_0 : i32, i32, i32
  }
  func.func @transform_3(%arg0: i32) -> (i32, i32, i32) {
    %c0_i32 = arith.constant 0 : i32
    %c0_i32_0 = arith.constant 0 : i32
    %c0_i32_1 = arith.constant 0 : i32
    return %arg0, %c0_i32, %c0_i32_0 : i32, i32, i32
  }
  func.func @transform_4(%arg0: i32) -> (i32, i32, i32) {
    %c0_i32 = arith.constant 0 : i32
    %c0_i32_0 = arith.constant 0 : i32
    %c0_i32_1 = arith.constant 0 : i32
    return %arg0, %c0_i32, %c0_i32_0 : i32, i32, i32
  }
  func.func @transform_5(%arg0: i32) -> (i32, i32, i32) {
    %c0_i32 = arith.constant 0 : i32
    %c0_i32_0 = arith.constant 0 : i32
    %c0_i32_1 = arith.constant 0 : i32
    return %arg0, %c0_i32, %c0_i32_0 : i32, i32, i32
  }
}

</mosaic_0001>

<sc_bundles>
// kernel: kernel.5.cloned.1.call-start
scs
__scs_entry_jumppad:
0x0: {  	(pc) =	sbr.rel $0x88, $3  }
0x1: {  	(tag) =	ssettag $0x0;
	lr =	simm.s32 $0x1  }
0x2: {  	[smem:$0x3F9E] =	sst lr;
	_ =	strace $0xD0000000  }
0x3: {  	_ = 	snop  }
0x4: {  	_ = 	snop  }
0x5: {  	_ = 	snop  }
0x6: {  	_ = 	snop  }
0x7: {  	_ = 	snop  }
__scs_overlays_trampoline_lowered:
0x8: {  	[smem:$0x3FAD] =	sst s0  }
0x9: {  	[smem:$0x3FAE] =	sst s1  }
0xa: {  	[smem:$0x3FAF] =	sst s2  }
0xb: {  	[smem:$0x3FB0] =	sst s3  }
0xc: {  	[smem:$0x3FB1] =	sst s4  }
0xd: {  	[smem:$0x3FB2] =	sst s5  }
0xe: {  	[smem:$0x3FB3] =	sst s6  }
0xf: {  	[smem:$0x3FB4] =	sst s7  }
0x10: {  	[smem:$0x3FB5] =	sst s8  }
0x11: {  	[smem:$0x3FB6] =	sst s9;
	s0 =	simm.s32 @!p0 $0x0  }
0x12: {  	s1 =	sld [smem:$0x3F9C];
	s0 =	simm.s32 @p0 $0x1  }
0x13: {  	[smem:$0x3FB7] =	sst s0;
	s0 =	simm.s32 @!p1 $0x0  }
0x14: {  	s2 =	sld [smem:$0x3F9B];
	s0 =	simm.s32 @p1 $0x1  }
0x15: {  	[smem:$0x3FB8] =	sst s0;
	s0 =	simm.s32 @!p2 $0x0  }
0x16: {  	s3 =	sld [smem:$0x3FDB];
	s0 =	simm.s32 @p2 $0x1  }
0x17: {  	s4 =	simm.s32 $0x1BF5;
	[smem:$0x3FBA] =	sst s0  }
0x18: {  	s0 =	sld [smem:$0x3F9D];
	_ =	swait.ge [sflag:s4], $0x0  }
0x19: {  	s7 =	sld [smem:$0x3F9E]  }
0x1a: {  	s8 =	sadd.s32 $0xFFFFE003, lr  }
0x1b: {  	s9 =	sadd.s32 $0xFFFFFEF7, lr;
	s5 =	simm.s32 $0xFFFFFFFF;
	p2 =	slt.u32 s8, $0xFFFFF086  }
0x1c: {  	p1 =	slt.u32 s9, $0xF7A;
	s5 =	simm.s32 @!p2 $0x0  }
0x1d: {  	s5 =	simm.s32 @p1 $0x1;
	p0 =	seq.s32 s7, s2  }
0x1e: {  	s7 =	smul.u32 @!p0 $0xF7A, s2;
	p2 =	seq.s32 @!p0 s5, $0x0  }
0x1f: {  	s9 =	smul.u32 $0xF7A, s1;
	s8 =	simm.s32 @!p0 $0x1BF5;
	p2 =	por !p2, p0  }
0x20: {  	[sflag:s8] =	ssyncset.s32 @!p0 $0xFFFFF086;
	s6 =	sadd.s32 @!p0 s3, s7;
	s7 =	simm.s32 @!p0 $0x108  }
0x21: {  	s3 =	sadd.s32 s3, s9;
	s6 =	sadd.s32 @!p0 $0x88, s6;
	s7 =	simm.s32 @p2 $0x1082  }
0x22: {  	[simem:s7], [sflag:s8] =	dma.local @!p0 [hbm:s6], $0xF7A  }
0x23: {  	s9 =	sor.u32 $0xD0000000, s2;
	s6 =	simm.s32 $0x108;
	_ =	swait.ge @!p0 [sflag:s8], $0x0  }
0x24: {  	s3 =	sadd.s32 $0x88, s3;
	s6 =	simm.s32 @!p1 $0x1082;
	[sflag:s4] =	ssyncset.s32 $0xFFFFF086  }
0x25: {  	[simem:s6], [sflag:s4] =	dma.local [hbm:s3], $0xF7A  }
0x26: {  	[smem:$0x3F9E] =	sst s1;
	(tag) =	ssettag s2;
	_ =	strace s9  }
0x27: {  	s1 =	sld [smem:$0x3FAE]  }
0x28: {  	s2 =	sld [smem:$0x3FAF]  }
0x29: {  	s4 =	sld [smem:$0x3FB1]  }
0x2a: {  	p0 =	seq.s32 s5, $0x0;
	s5 =	sld [smem:$0x3FB2]  }
0x2b: {  	s6 =	sld [smem:$0x3FB3]  }
0x2c: {  	s7 =	sld [smem:$0x3FB4]  }
0x2d: {  	s3 =	simm.s32 $0x108;
	s8 =	sld [smem:$0x3FB5]  }
0x2e: {  	s3 =	simm.s32 @!p0 $0x1082;
	s9 =	sld [smem:$0x3FB6]  }
0x2f: {  	lr =	sadd.s32 s0, s3;
	s0 =	sld [smem:$0x3FAD]  }
0x30: {  	s3 =	sld [smem:$0x3FB0]  }
0x31: {  	[smem:$0x3FB9] =	sst s10  }
0x32: {  	s10 =	sld [smem:$0x3FB7];
	_ =	sdelay $0x3  }
0x33: {  	p0 =	seq.s32 s10, $0x1;
	s10 =	sld [smem:$0x3FB9];
	_ =	sdelay $0x3  }
0x34: {  	[smem:$0x3FB9] =	sst s10  }
0x35: {  	s10 =	sld [smem:$0x3FB8];
	_ =	sdelay $0x3  }
0x36: {  	p1 =	seq.s32 s10, $0x1;
	s10 =	sld [smem:$0x3FB9];
	_ =	sdelay $0x3  }
0x37: {  	[smem:$0x3FB9] =	sst s10  }
0x38: {  	s10 =	sld [smem:$0x3FBA]  }
0x39: {  	_ = 	snop;
	(pc) =	sbr.ind lr, $3  }
0x3a: {  	_ = 	snop  }
0x3b: {  	_ = 	snop  }
0x3c: {  	p2 =	seq.s32 s10, $0x1;
	s10 =	sld [smem:$0x3FB9]  }
0x3d: {  	_ =	shalt  }
0x3e: {  	_ =	shalt  }
0x3f: {  	_ =	shalt  }
0x40: {  	_ =	shalt  }
0x41: {  	_ =	shalt  }
0x42: {  	_ =	shalt  }
0x43: {  	_ =	shalt  }
0x44: {  	_ =	shalt  }
0x45: {  	_ =	shalt  }
0x46: {  	_ =	shalt  }
0x47: {  	_ =	shalt  }
0x48: {  	_ =	shalt  }
0x49: {  	_ =	shalt  }
0x4a: {  	_ =	shalt  }
0x4b: {  	_ =	shalt  }
0x4c: {  	_ =	shalt  }
0x4d: {  	_ =	shalt  }
0x4e: {  	_ =	shalt  }
0x4f: {  	_ =	shalt  }
0x50: {  	_ =	shalt  }
0x51: {  	_ =	shalt  }
0x52: {  	_ =	shalt  }
0x53: {  	_ =	shalt  }
0x54: {  	_ =	shalt  }
0x55: {  	_ =	shalt  }
0x56: {  	_ =	shalt  }
0x57: {  	_ =	shalt  }
0x58: {  	_ =	shalt  }
0x59: {  	_ =	shalt  }
0x5a: {  	_ =	shalt  }
0x5b: {  	_ =	shalt  }
0x5c: {  	_ =	shalt  }
0x5d: {  	_ =	shalt  }
0x5e: {  	_ =	shalt  }
0x5f: {  	_ =	shalt  }
0x60: {  	_ =	shalt  }
0x61: {  	_ =	shalt  }
0x62: {  	_ =	shalt  }
0x63: {  	_ =	shalt  }
0x64: {  	_ =	shalt  }
0x65: {  	_ =	shalt  }
0x66: {  	_ =	shalt  }
0x67: {  	_ =	shalt  }
0x68: {  	_ =	shalt  }
0x69: {  	_ =	shalt  }
0x6a: {  	_ =	shalt  }
0x6b: {  	_ =	shalt  }
0x6c: {  	_ =	shalt  }
0x6d: {  	_ =	shalt  }
0x6e: {  	_ =	shalt  }
0x6f: {  	_ =	shalt  }
0x70: {  	_ =	shalt  }
0x71: {  	_ =	shalt  }
0x72: {  	_ =	shalt  }
0x73: {  	_ =	shalt  }
0x74: {  	_ =	shalt  }
0x75: {  	_ =	shalt  }
0x76: {  	_ =	shalt  }
0x77: {  	_ =	shalt  }
0x78: {  	_ =	shalt  }
0x79: {  	_ =	shalt  }
0x7a: {  	_ =	shalt  }
0x7b: {  	_ =	shalt  }
0x7c: {  	_ =	shalt  }
0x7d: {  	_ =	shalt  }
0x7e: {  	_ =	shalt  }
0x7f: {  	_ =	shalt  }
0x80: {  	_ =	shalt  }
0x81: {  	_ =	shalt  }
0x82: {  	_ =	shalt  }
0x83: {  	_ =	shalt  }
0x84: {  	_ =	shalt  }
0x85: {  	_ =	shalt  }
0x86: {  	_ =	shalt  }
0x87: {  	_ =	shalt  }
.Lfunc_end0:
.L_simem_size_0:
called_computation_lowered:
.L_overlay_start_0:
0x88: {  	s2 =	sld [smem:$0x3FD9]  }
0x89: {  	s3 =	sld [smem:$0x3FFE];
	_ =	sdelay $0x1  }
0x8a: {  	s1 =	srdreg.scid  }
0x8b: {  	s0 =	sand.u32 $0x1, s1  }
0x8c: {  	s14 =	sshll.u32 s0, $0xA;
	s2 =	sadd.s32 s3, s2  }
0x8d: {  	s2 =	sadd.s32 s2, s14  }
0x8e: {  	[smem:$0x3FC5] =	sst s2  }
0x8f: {  	_ = 	snop  }
0x90: {  	s2 =	sld [smem:$0x3FD0];
	_ =	sdelay $0x2  }
0x91: {  	s15 =	simm.s32 $0xA;
	s4 =	simm.s32 $0x10  }
0x92: {  	[smem:s4], [sflag:s15] =	dma.local [hbm:s2], $0x1  }
0x93: {  	_ =	swait.eq [sflag:s15], $0x1  }
0x94: {  	[sflag:s15] =	ssyncset.done $0x0  }
0x95: {  	[sflag:s15] =	ssyncadd.s32 $0xFFFFFFFF  }
0x96: {  	s16 =	sld [smem:$0x11];
	(tm) =	ssettm $0x1  }
0x97: {  	s17 =	sld [smem:$0x3FFB];
	_ =	sdelay $0x3  }
0x98: {  	_ =	strace s17  }
0x99: {  	s3 =	sld [smem:$0x3FFC];
	_ =	sdelay $0x3  }
0x9a: {  	_ =	strace s3  }
0x9b: {  	s3 =	sld [smem:$0x3FFD];
	_ =	sdelay $0x3  }
0x9c: {  	_ =	strace s3  }
0x9d: {  	_ =	strace $0x8FFFFFFF  }
0x9e: {  	s18 =	sld [smem:$0x3FDB];
	_ =	sdelay $0x1  }
0x9f: {  	s19 =	simm.s32 $_scs_section_size  }
0xa0: {  	s5 =	simm.s32 $_size__tile_overlayer_lowered;
	s6 =	simm.s32 $_tile_overlayer_lowered  }
0xa1: {  	s22 =	simm.s32 $0x1BFF;
	s21 =	sshll.u32 s6, $0x1;
	s3 =	sadd.s32 s19, s18  }
0xa2: {  	s7 =	simm.s32 $0x0;
	s20 =	sshll.u32 s5, $0x1;
	s5 =	sadd.s32 s21, s3  }
0xa3: {  	[timem:s7], [sflag:s22] =	dma.local [hbm:s5], s20  }
0xa4: {  	_ =	swait.ge [sflag:s22], s20  }
0xa5: {  	s4 =	ssub.s32 $0x0, s20;
	[sflag:s22] =	ssyncset.done $0x0  }
0xa6: {  	[sflag:s22] =	ssyncadd.s32 s4;
	_ =	sdelay $0x1  }
0xa7: {  	s23 =	simm.s32 $0x1B8B  }
0xa8: {  	_ =	swait.ge [sflag:s23], $0x1  }
0xa9: {  	[sflag:s23] =	ssyncset.done $0x0  }
0xaa: {  	s25 =	simm.s32 $0x1B8E;
	s24 =	sld [smem:$0x3FFE];
	[sflag:s23] =	ssyncadd.s32 $0xFFFFFFFF  }
0xab: {  	s26 =	simm.s32 $execute0_lowered;
	[smem:$0x3FD2] =	sst s25  }
0xac: {  	s5 =	sshll.u32 s26, $0x1;
	_ =	strace $0x80000046;
	[dreg:$0x1] =	wrdreg $0xFFFFFFFF  }
0xad: {  	s28 =	simm.s32 $_size_execute0_lowered;
	s3 =	sadd.s32 s3, s5;
	[dreg:$0x0] =	wrdreg $0x0  }
0xae: {  	s5 =	sshll.u32 s28, $0x1;
	[dreg:$0x2] =	wrdreg s3  }
0xaf: {  	[dreg:$0x3] =	wrdreg s5  }
0xb0: {  	[dreg:$0x4] =	wrdreg $0xC0  }
0xb1: {  	_ =	task [dreg:s7], $0x5FFFF  }
0xb2: {  	[dreg:$0x1] =	wrdreg $0xFFFFFFFF  }
0xb3: {  	[dreg:$0x0] =	wrdreg $0x60  }
0xb4: {  	[dreg:$0x2] =	wrdreg s24  }
0xb5: {  	[dreg:$0x3] =	wrdreg s16  }
0xb6: {  	[dreg:$0x4] =	wrdreg $0x9  }
0xb7: {  	_ =	task.clear_ibuf [dreg:s7], $0x5FFFF;
	_ =	strace $0x90000046  }
0xb8: {  	s29 =	simm.s32 $0x9;
	_ =	strace $0x80000048  }
0xb9: {  	_ =	swait.ge [sflag:s29], $0x1  }
0xba: {  	[sflag:s29] =	ssyncadd.s32 $0xFFFFFFFF  }
0xbb: {  	_ =	strace $0x90000048  }
0xbc: {  	_ =	sfence  }
0xbd: {  	s30 =	sld [smem:$0x0];
	_ =	sdelay $0x2  }
0xbe: {  	s31 =	sshll.u32 s1, $0xD;
	s1 =	sshrl.u32 s1, $0x2  }
0xbf: {  	s3 =	sand.u32 $0x4000, s31;
	s1 =	sadd.s32 s1, s30  }
0xc0: {  	s0 =	sor.u32 s3, s0;
	s1 =	sshll.u32 s1, $0x11  }
0xc1: {  	s0 =	sor.u32 s1, s0  }
0xc2: {  	s0 =	sadd.s32 $0x8F2B, s0  }
0xc3: {  	[sflag:s0] =	ssyncadd.remote.s32 $0x1  }
0xc4: {  	_ =	sfence.sel $0xFFFF  }
0xc5: {  	[dreg:$0x0] =	wrdreg $0xFFFFFFFF;
	(pc) =	sbr.abs _section_cstart, $3  }
0xc6: {  	[dreg:$0x1] =	wrdreg $0xFFFFFFFF  }
0xc7: {  	_ =	task.clear_ibuf [dreg:s7], $0x2FFFF;
	_ =	strace $0x9FFFFFFF  }
0xc8: {  	(tm) =	ssettm $0x7FFFFFFF  }
0xc9: {  	_ =	shalt  }
tec
execute0_lowered:
.L_overlay_start_1:
0x0: {  	(tag) =	ssettag $0x1  }
0x1: {  	s0 =	rddreg [dreg:$0x0]  }
0x2: {  	s3 =	rddreg [dreg:$0x1];
	s1 =	simm.s32 $0x0  }
0x3: {  	s6 =	srdreg.scid;
	s19 =	stileid.u32;
	s20 =	simm.s32 $0x3  }
0x4: {  	s28 =	simm.s32 $0x80;
	s29 =	simm.s32 $0x3B80;
	s30 =	simm.s32 $0x3C00  }
0x5: {  	s31 =	simm.s32 $0x3C80;
	s21 =	simm.s32 $0x2;
	[smem:$0x7FF] =	sst s1  }
0x6: {  	s2 =	sadd.s32 $0x1200, s0;
	s4 =	sadd.s32 $0x5E00, s0;
	s5 =	sadd.s32 $0xAA00, s0  }
0x7: {  	s15 =	sand.u32 $0x1, s6;
	s6 =	sadd.s32 $0xF600, s0;
	s7 =	sadd.s32 $0x14200, s0  }
0x8: {  	s8 =	sadd.s32 $0x18E00, s0;
	s9 =	smul.u32 $0x12C0, s19;
	s10 =	sadd.s32 $0x19600, s0  }
0x9: {  	s11 =	sadd.s32 $0x19E00, s0;
	s12 =	sadd.s32 $0x1A600, s0;
	s16 =	smul.u32 $0x12C00, s15  }
0xa: {  	s13 =	sadd.s32 $0x1AE00, s0;
	s14 =	smul.u32 $0x180, s15;
	s22 =	ssub.s32 $0x2, s15  }
0xb: {  	_ =	strace $0x80000047;
	s15 =	smul.u32 $0x1900, s15;
	s17 =	sshrl.u32 s22, $0x1  }
0xc: {  	s18 =	sadd.s32 s9, s16;
	s14 =	sshrl.u32 s14, $0x3;
	s0 =	ssub.s32 s22, s17  }
0xd: {  	s26 =	sadd.s32 $0x1800, s15;
	s22 =	simm.s32 $0x0;
	s18 =	sshrl.u32 s18, $0x3  }
.Ltmp0:
0xe: {  	v0 =	vlaneseq.u32;
	s14 =	sadd.s32 s3, s14;
	s0 =	smax.u32 s0, $0x1;
	(pc) =	sbr.rel .LBB2_1-.Ltmp0, $4  }
0xf: {  	v1 =	vor.u32 s26, v0;
	s26 =	simm.s32 $0x1;
	s23 =	sadd.s32 s2, s18;
	[dreg:$0x6] =	wrdreg s0  }
0x10: {  	s3 =	simm.s32 $0x3D80;
	s24 =	sadd.s32 $0x10, s14;
	[dreg:$0x3] =	wrdreg s23  }
0x11: {  	v4 =	vimm.s32 $0x0;
	v5 =	vmov s19;
	v3 =	vor.u32 $0x257F0, v0;
	s25 =	sadd.s32 $0x20, s14;
	s0 =	simm.s32 $0x3D00;
	[dreg:$0x4] =	wrdreg s24  }
0x12: {  	vm0 =	vgt.u32 v5, v0;
	vm1 =	veq.s32 v5, v0;
	v2 =	vmov s16;
	[dreg:$0x5] =	wrdreg s25;
	s24 =	simm.s32 $0x1480;
	s25 =	simm.s32 $0x2780  }
.LBB2_8:
0x13: {  	[sflag:s21] =	ssyncadd.s32 $0xFFFFFF80  }
.LBB2_9:
0x14: {  	s22 =	sadd.s32 $0x1, s22;
	s16 =	rddreg [dreg:$0x6]  }
0x15: {  	p0 =	sne.s32 s22, s16  }
.Ltmp1:
0x16: {  	_ = 	snop;
	(pc) =	sbr.rel @!p0 .LBB2_10-.Ltmp1, $1  }
0x17: {  	_ =	sdelay $0x3  }
.LBB2_1:
0x18: {  	s16 =	rddreg [dreg:$0x3]  }
0x19: {  	[tilespmem:s1], [sflag:$0x3] =	stream.linear.gather [hbm4b:s16+s1], $0x12C0, $0x38;
	[tilespmem:$0x3E00] =	vst v63  }
0x1a: {  	_ =	swait.ge [sflag:s20], $0x12C0  }
0x1b: {  	[sflag:s20] =	ssyncset.done $0x0  }
0x1c: {  	s17 =	simm.s32 $0x1300;
	[sflag:s20] =	ssyncadd.s32 $0xFFFFED40  }
0x1d: {  	[tilespmem:s17], [sflag:$0x3] =	stream.linear.gather [hbm4b:s14+s1], $0x10, $0x38;
	[tilespmem:$0x3E00] =	vst v63  }
0x1e: {  	_ =	swait.ge [sflag:s20], $0x10  }
0x1f: {  	[sflag:s20] =	ssyncset.done $0x0  }
0x20: {  	s17 =	simm.s32 $0x1380;
	s18 =	rddreg [dreg:$0x4];
	[sflag:s20] =	ssyncadd.s32 $0xFFFFFFF0  }
0x21: {  	[tilespmem:s17], [sflag:$0x3] =	stream.linear.gather [hbm4b:s18+s1], $0x10, $0x38;
	[tilespmem:$0x3E00] =	vst v63  }
0x22: {  	_ =	swait.ge [sflag:s20], $0x10  }
0x23: {  	[sflag:s20] =	ssyncset.done $0x0  }
0x24: {  	s23 =	simm.s32 $0x1400;
	s19 =	rddreg [dreg:$0x5];
	[sflag:s20] =	ssyncadd.s32 $0xFFFFFFF0  }
0x25: {  	[tilespmem:s23], [sflag:$0x3] =	stream.linear.gather [hbm4b:s19+s1], $0x10, $0x38;
	[tilespmem:$0x3E00] =	vst v63  }
0x26: {  	_ =	swait.ge [sflag:s20], $0x10  }
0x27: {  	[sflag:s20] =	ssyncset.done $0x0  }
0x28: {  	[sflag:s20] =	ssyncadd.s32 $0xFFFFFFF0  }
0x29: {  	s17 =	sand.u32 $0x7E00, s1;
	v5 =	vld [tilespmem:$0x1300]  }
0x2a: {  	s18 =	sand.u32 $0x70, s1;
	s19 =	simm.s32 $0x0;
	s23 =	sshrl.u32 s17, $0x2;
	v7 =	vld [tilespmem:$0x1380]  }
0x2b: {  	s16 =	simm.s32 $0x10;
	s17 =	simm.s32 $0x0;
	s18 =	sor.u32 s18, s23;
	v8 =	vld [tilespmem:$0x1400];
	[tilespmem:s19+$0x1480] =	vst v3  }
.LBB2_2:
0x2c: {  	p0 =	seq.s32 s16, $0x12F0  }
0x2d: {  	[tilespmem:s18+$0x2780] =	vst v1;
	s17 =	sadd.s32 $0x40, s17;
	s18 =	smov.u32 s16;
	s16 =	sadd.s32 $0x10, s16  }
.Ltmp2:
0x2e: {  	(pc) =	sbr.rel @!p0 .LBB2_2-.Ltmp2, $4  }
0x2f: {  	_ = 	snop  }
0x30: {  	s23 =	sand.u32 $0x7E00, s17  }
0x31: {  	s19 =	sshra.s32 s17, $0x2;
	s18 =	sand.u32 $0x70, s18;
	s23 =	sshrl.u32 s23, $0x2  }
0x32: {  	s18 =	sor.u32 s18, s23;
	[tilespmem:s19+$0x1480] =	vst v3  }
0x33: {  	v6 =	vnsel vm0, $0x0, v5  }
0x34: {  	(xrf0) =	vadd.scan.msk.s32 $0xffff, v6;
	_ =	sdelay $0x4  }
0x35: {  	[tilespmem:s18+$0x2780] =	vst v1;
	s17 =	simm.s32 $0x0  }
0x36: {  	v9 =	vld [tilespmem:s17+$0x0];
	v6, _, _ =	vpop (xrf0)  }
0x37: {  	(v2sf) =	vpush v6, $0xF;
	_ =	sdelay $0x2  }
0x38: {  	v10 =	vor.u32 s9, v0  }
0x39: {  	vm3 =	vlt.s32 v10, v8;
	vm2 =	veq.s32 v9, v7  }
0x3a: {  	vm4 =	vgt.s32 v9, v7;
	vm2 =	vmand vm3, vm2  }
0x3b: {  	vm2 =	vmor vm4, vm2  }
0x3c: {  	v9 =	vsel vm2, $0x1, v4  }
0x3d: {  	(xrf0) =	vadd.scan.msk.s32 $0xffff, v9;
	_ =	sdelay $0x1  }
0x3e: {  	s19 =	simm.s32 $0x0  }
0x3f: {  	v9 =	vmov s19  }
0x40: {  	v9 =	vadd.s32 $0xFFFFFFFF, v9  }
0x41: {  	v9 =	vbroadcast v9, $0x0  }
0x42: {  	v11, _, _ =	vpop (xrf0)  }
0x43: {  	v9 =	vadd.s32 v11, v9;
	s16 =	spop (v2sf);
	(v2sf) =	vpush v11, $0xF  }
0x44: {  	v11 =	vshra.s32 v9, $0x1F  }
0x45: {  	v11 =	vshrl.u32 v11, $0x19  }
0x46: {  	v11 =	vadd.s32 v11, v9  }
0x47: {  	v11 =	vshra.s32 v11, $0x7  }
0x48: {  	v12 =	vshll.u32 v11, $0x7  }
0x49: {  	vm3 =	vlt.s32 v9, $0x1;
	vm15 =	vne.s32 v9, v12  }
0x4a: {  	vm3 =	vmand vm3, vm15  }
0x4b: {  	v61 =	vsel vm3, $0xFFFFFFFF, v4  }
0x4c: {  	v11 =	vadd.s32 v61, v11  }
0x4d: {  	v62 =	vand.u32 $0x7F, v9;
	v11 =	vshll.u32 v11, $0x7  }
0x4e: {  	v11 =	vor.u32 v62, v11;
	_ =	sdelay $0x1  }
0x4f: {  	s16 =	sadd.s32 s15, s16  }
0x50: {  	v10 =	vadd.s32 v2, v10;
	v6 =	vmov s16  }
0x51: {  	s18 =	simm.s32 $0x10;
	[tilespmem:v9+s24+$0x0] =	vst.idx.msk vm2, v10;
	v63 =	vadd.s32 v6, v9;
	s23 =	spop (v2sf)  }
0x52: {  	s17 =	simm.s32 $0x80;
	[tilespmem:v11+s25+$0x0] =	vst.idx.msk vm2, v63;
	s16 =	sadd.s32 $0x0, s23;
	s23 =	smov.u32 s9  }
.LBB2_4:
0x53: {  	p0 =	sne.s32 s17, $0x4AC0;
	v9 =	vld [tilespmem:s18+$0x0];
	v10 =	vmov s16  }
0x54: {  	v10 =	vadd.s32 $0xFFFFFFFF, v10  }
0x55: {  	v10 =	vbroadcast v10, $0x0  }
0x56: {  	s23 =	sadd.s32 $0x10, s23  }
0x57: {  	v11 =	vor.u32 s23, v0  }
0x58: {  	vm3 =	vlt.s32 v11, v8;
	vm2 =	veq.s32 v9, v7  }
0x59: {  	vm4 =	vgt.s32 v9, v7;
	vm2 =	vmand vm3, vm2  }
0x5a: {  	vm2 =	vmor vm4, vm2  }
0x5b: {  	v9 =	vsel vm2, $0x1, v4  }
0x5c: {  	(xrf0) =	vadd.scan.msk.s32 $0xffff, v9;
	_ =	sdelay $0x5  }
0x5d: {  	v9, _, _ =	vpop (xrf0)  }
0x5e: {  	v10 =	vadd.s32 v9, v10;
	(v2sf) =	vpush v9, $0xF  }
0x5f: {  	v9 =	vshra.s32 v10, $0x1F;
	vm3 =	vlt.s32 v10, $0x1;
	v12 =	vand.u32 $0x7F, v10  }
0x60: {  	v13 =	vadd.s32 v6, v10;
	v9 =	vshrl.u32 v9, $0x19  }
0x61: {  	v9 =	vadd.s32 v9, v10  }
0x62: {  	v11 =	vadd.s32 v2, v11;
	v9 =	vshra.s32 v9, $0x7  }
0x63: {  	[tilespmem:v10+s24+$0x0] =	vst.idx.msk vm2, v11;
	v11 =	vshll.u32 v9, $0x7  }
0x64: {  	vm4 =	vne.s32 v10, v11  }
0x65: {  	vm3 =	vmand vm3, vm4  }
0x66: {  	v10 =	vsel vm3, $0xFFFFFFFF, v4  }
0x67: {  	v9 =	vadd.s32 v10, v9  }
0x68: {  	v9 =	vshll.u32 v9, $0x7  }
0x69: {  	v9 =	vor.u32 v12, v9  }
.Ltmp3:
0x6a: {  	(pc) =	sbr.rel @p0 .LBB2_4-.Ltmp3, $3  }
0x6b: {  	_ =	sdelay $0x1  }
0x6c: {  	s19 =	spop (v2sf)  }
0x6d: {  	s18 =	sshra.s32 s17, $0x2;
	s17 =	sadd.s32 $0x40, s17;
	[tilespmem:v9+s25+$0x0] =	vst.idx.msk vm2, v13;
	s16 =	sadd.s32 s16, s19  }
0x6e: {  	v9 =	vld [tilespmem:s18+$0x0];
	_ =	sdelay $0x2  }
0x6f: {  	s17 =	sadd.s32 $0x10, s23  }
0x70: {  	v10 =	vor.u32 s17, v0  }
0x71: {  	vm3 =	vlt.s32 v10, v8;
	vm2 =	veq.s32 v9, v7  }
0x72: {  	vm4 =	vgt.s32 v9, v7;
	vm2 =	vmand vm3, vm2  }
0x73: {  	vm2 =	vmor vm4, vm2  }
0x74: {  	v7 =	vsel vm2, $0x1, v4  }
0x75: {  	v5 =	vnsel vm1, $0x0, v5;
	(xrf0) =	vadd.scan.msk.s32 $0xffff, v7  }
0x76: {  	(xrf0) =	vadd.scan.msk.s32 $0xffff, v5;
	_ =	sdelay $0x4  }
0x77: {  	v5, _, _ =	vpop (xrf0)  }
0x78: {  	(v2sf) =	vpush v5, $0xF;
	v7, _, _ =	vpop (xrf0)  }
0x79: {  	(v2sf) =	vpush v7, $0xF;
	_ =	sdelay $0x7  }
0x7a: {  	v7 =	vmov s16  }
0x7b: {  	v7 =	vadd.s32 $0xFFFFFFFF, v7  }
0x7c: {  	v7 =	vbroadcast v7, $0x0;
	_ =	sdelay $0x1  }
0x7d: {  	v5 =	vadd.s32 v5, v7  }
0x7e: {  	v7 =	vshra.s32 v5, $0x1F  }
0x7f: {  	v7 =	vshrl.u32 v7, $0x19;
	s17 =	spop (v2sf)  }
0x80: {  	v7 =	vadd.s32 v7, v5;
	s16 =	spop (v2sf)  }
0x81: {  	v7 =	vshra.s32 v7, $0x7;
	s16 =	sadd.s32 $0x7F, s16  }
0x82: {  	v60 =	vshll.u32 v7, $0x7;
	s18 =	sand.u32 $0x7F, s16  }
0x83: {  	vm3 =	vlt.s32 v5, $0x1;
	vm15 =	vne.s32 v5, v60;
	s19 =	sshra.s32 s16, $0x1F;
	p0 =	slt.s32 s16, $0x1;
	p1 =	sne.s32 s18, $0x0  }
0x84: {  	vm3 =	vmand vm3, vm15;
	s23 =	sshrl.u32 s19, $0x19;
	p0 =	por !p0, !p1  }
0x85: {  	v61 =	vsel vm3, $0xFFFFFFFF, v4;
	s17 =	simm.s32 $0x1;
	s16 =	sadd.s32 s23, s16;
	p0 =	por !p0, !p0  }
0x86: {  	v7 =	vadd.s32 v61, v7;
	s16 =	sshra.s32 s16, $0x7;
	s17 =	simm.s32 @!p0 $0x0  }
0x87: {  	v62 =	vand.u32 $0x7F, v5;
	v7 =	vshll.u32 v7, $0x7;
	s17 =	ssub.s32 s16, s17  }
0x88: {  	v7 =	vor.u32 v62, v7;
	p0 =	slt.s32 s17, $0x1  }
.Ltmp4:
0x89: {  	_ = 	snop;
	(pc) =	sbr.rel @p0 .LBB2_9-.Ltmp4, $4  }
0x8a: {  	_ = 	snop  }
0x8b: {  	v63 =	vadd.s32 v2, v10  }
0x8c: {  	v6 =	vadd.s32 v6, v5;
	[tilespmem:v5+s24+$0x0] =	vst.idx.msk vm2, v63  }
0x8d: {  	[tilespmem:v7+s25+$0x0] =	vst.idx.msk vm2, v6  }
0x8e: {  	s23 =	simm.s32 $0x1480  }
0x8f: {  	[tilespmem:s29], [sflag:$0x1] =	stream.indirect.gather [hbm4b:s4+s28], $0x1, s23, s28, $0xb8;
	[tilespmem:$0x3E00] =	vst v63  }
0x90: {  	_ = 	snop  }
0x91: {  	[tilespmem:s30], [sflag:$0x1] =	stream.indirect.gather [hbm4b:s5+s28], $0x1, s23, s28, $0xb8;
	[tilespmem:$0x3E00] =	vst v63  }
0x92: {  	_ = 	snop  }
0x93: {  	[tilespmem:s31], [sflag:$0x1] =	stream.indirect.gather [hbm4b:s6+s28], $0x1, s23, s28, $0xb8;
	[tilespmem:$0x3E00] =	vst v63  }
0x94: {  	_ = 	snop  }
0x95: {  	[tilespmem:s0], [sflag:$0x1] =	stream.indirect.gather [hbm4b:s7+s28], $0x1, s23, s28, $0xb8;
	[tilespmem:$0x3E00] =	vst v63  }
0x96: {  	_ = 	snop  }
0x97: {  	[tilespmem:s3], [sflag:$0x1] =	stream.indirect.gather [hbm4b:s2+s28], $0x1, s23, s28, $0xb8;
	[tilespmem:$0x3E00] =	vst v63  }
0x98: {  	_ =	swait.ge [sflag:s26], $0x80  }
0x99: {  	[sflag:s26] =	ssyncset.done $0x0  }
0x9a: {  	[sflag:s26] =	ssyncadd.s32 $0xFFFFFF80  }
0x9b: {  	_ =	swait.ge [sflag:s26], $0x80  }
0x9c: {  	[sflag:s26] =	ssyncset.done $0x0  }
0x9d: {  	[sflag:s26] =	ssyncadd.s32 $0xFFFFFF80  }
0x9e: {  	_ =	swait.ge [sflag:s26], $0x80  }
0x9f: {  	[sflag:s26] =	ssyncset.done $0x0  }
0xa0: {  	[sflag:s26] =	ssyncadd.s32 $0xFFFFFF80  }
0xa1: {  	_ =	swait.ge [sflag:s26], $0x80  }
0xa2: {  	[sflag:s26] =	ssyncset.done $0x0  }
0xa3: {  	[sflag:s26] =	ssyncadd.s32 $0xFFFFFF80  }
0xa4: {  	_ =	swait.ge [sflag:s26], $0x80  }
0xa5: {  	[sflag:s26] =	ssyncset.done $0x0  }
0xa6: {  	s16 =	simm.s32 $0x2780;
	[sflag:s26] =	ssyncadd.s32 $0xFFFFFF80  }
0xa7: {  	[hbm4b:s8+s28] =	stream.indirect.scatter [tilespmem:s29], [sflag:$0x2], $0x1, s16, s28, $0xb8;
	[tilespmem:$0x3E00] =	vst v63  }
0xa8: {  	_ = 	snop  }
0xa9: {  	[hbm4b:s10+s28] =	stream.indirect.scatter [tilespmem:s30], [sflag:$0x2], $0x1, s16, s28, $0xb8;
	[tilespmem:$0x3E00] =	vst v63  }
0xaa: {  	_ = 	snop  }
0xab: {  	[hbm4b:s11+s28] =	stream.indirect.scatter [tilespmem:s31], [sflag:$0x2], $0x1, s16, s28, $0xb8;
	[tilespmem:$0x3E00] =	vst v63  }
0xac: {  	_ = 	snop  }
0xad: {  	[hbm4b:s12+s28] =	stream.indirect.scatter [tilespmem:s0], [sflag:$0x2], $0x1, s16, s28, $0xb8;
	[tilespmem:$0x3E00] =	vst v63  }
0xae: {  	_ = 	snop  }
0xaf: {  	[hbm4b:s13+s28] =	stream.indirect.scatter [tilespmem:s3], [sflag:$0x2], $0x1, s16, s28, $0xb8;
	[tilespmem:$0x3E00] =	vst v63  }
0xb0: {  	_ =	swait.ge [sflag:s21], $0x80  }
0xb1: {  	[sflag:s21] =	ssyncset.done $0x0  }
0xb2: {  	[sflag:s21] =	ssyncadd.s32 $0xFFFFFF80  }
0xb3: {  	_ =	swait.ge [sflag:s21], $0x80  }
0xb4: {  	[sflag:s21] =	ssyncset.done $0x0  }
0xb5: {  	[sflag:s21] =	ssyncadd.s32 $0xFFFFFF80  }
0xb6: {  	_ =	swait.ge [sflag:s21], $0x80  }
0xb7: {  	[sflag:s21] =	ssyncset.done $0x0  }
0xb8: {  	p0 =	sne.s32 s17, $0x1;
	[sflag:s21] =	ssyncadd.s32 $0xFFFFFF80  }
.Ltmp5:
0xb9: {  	_ =	swait.ge [sflag:s21], $0x80;
	(pc) =	sbr.rel @!p0 .LBB2_8-.Ltmp5, $4  }
0xba: {  	[sflag:s21] =	ssyncset.done $0x0  }
0xbb: {  	[sflag:s21] =	ssyncadd.s32 $0xFFFFFF80  }
0xbc: {  	_ =	swait.ge [sflag:s21], $0x80  }
0xbd: {  	s17 =	sadd.s32 $0xFFFFFFFF, s17;
	[sflag:s21] =	ssyncset.done $0x0  }
.LBB2_7:
0xbe: {  	[sflag:s21] =	ssyncadd.s32 $0xFFFFFF80;
	s16 =	sadd.s32 $0x80, s16;
	s23 =	sadd.s32 $0x80, s23  }
0xbf: {  	[tilespmem:s29], [sflag:$0x1] =	stream.indirect.gather [hbm4b:s4+s28], $0x1, s23, s28, $0xb8;
	[tilespmem:$0x3E00] =	vst v63  }
0xc0: {  	p0 =	sne.s32 s17, $0x1;
	s17 =	sadd.s32 $0xFFFFFFFF, s17  }
0xc1: {  	[tilespmem:s30], [sflag:$0x1] =	stream.indirect.gather [hbm4b:s5+s28], $0x1, s23, s28, $0xb8;
	[tilespmem:$0x3E00] =	vst v63  }
0xc2: {  	_ = 	snop  }
0xc3: {  	[tilespmem:s31], [sflag:$0x1] =	stream.indirect.gather [hbm4b:s6+s28], $0x1, s23, s28, $0xb8;
	[tilespmem:$0x3E00] =	vst v63  }
0xc4: {  	_ = 	snop  }
0xc5: {  	[tilespmem:s0], [sflag:$0x1] =	stream.indirect.gather [hbm4b:s7+s28], $0x1, s23, s28, $0xb8;
	[tilespmem:$0x3E00] =	vst v63  }
0xc6: {  	_ = 	snop  }
0xc7: {  	[tilespmem:s3], [sflag:$0x1] =	stream.indirect.gather [hbm4b:s2+s28], $0x1, s23, s28, $0xb8;
	[tilespmem:$0x3E00] =	vst v63  }
0xc8: {  	_ =	swait.ge [sflag:s26], $0x80  }
0xc9: {  	[sflag:s26] =	ssyncset.done $0x0  }
0xca: {  	[sflag:s26] =	ssyncadd.s32 $0xFFFFFF80  }
0xcb: {  	_ =	swait.ge [sflag:s26], $0x80  }
0xcc: {  	[sflag:s26] =	ssyncset.done $0x0  }
0xcd: {  	[sflag:s26] =	ssyncadd.s32 $0xFFFFFF80  }
0xce: {  	_ =	swait.ge [sflag:s26], $0x80  }
0xcf: {  	[sflag:s26] =	ssyncset.done $0x0  }
0xd0: {  	[sflag:s26] =	ssyncadd.s32 $0xFFFFFF80  }
0xd1: {  	_ =	swait.ge [sflag:s26], $0x80  }
0xd2: {  	[sflag:s26] =	ssyncset.done $0x0  }
0xd3: {  	[sflag:s26] =	ssyncadd.s32 $0xFFFFFF80  }
0xd4: {  	_ =	swait.ge [sflag:s26], $0x80  }
0xd5: {  	[sflag:s26] =	ssyncset.done $0x0  }
0xd6: {  	[sflag:s26] =	ssyncadd.s32 $0xFFFFFF80  }
0xd7: {  	[hbm4b:s8+s28] =	stream.indirect.scatter [tilespmem:s29], [sflag:$0x2], $0x1, s16, s28, $0xb8;
	[tilespmem:$0x3E00] =	vst v63  }
0xd8: {  	_ = 	snop  }
0xd9: {  	[hbm4b:s10+s28] =	stream.indirect.scatter [tilespmem:s30], [sflag:$0x2], $0x1, s16, s28, $0xb8;
	[tilespmem:$0x3E00] =	vst v63  }
0xda: {  	_ = 	snop  }
0xdb: {  	[hbm4b:s11+s28] =	stream.indirect.scatter [tilespmem:s31], [sflag:$0x2], $0x1, s16, s28, $0xb8;
	[tilespmem:$0x3E00] =	vst v63  }
0xdc: {  	_ = 	snop  }
0xdd: {  	[hbm4b:s12+s28] =	stream.indirect.scatter [tilespmem:s0], [sflag:$0x2], $0x1, s16, s28, $0xb8;
	[tilespmem:$0x3E00] =	vst v63  }
0xde: {  	_ = 	snop  }
0xdf: {  	[hbm4b:s13+s28] =	stream.indirect.scatter [tilespmem:s3], [sflag:$0x2], $0x1, s16, s28, $0xb8;
	[tilespmem:$0x3E00] =	vst v63  }
0xe0: {  	_ =	swait.ge [sflag:s21], $0x80  }
0xe1: {  	[sflag:s21] =	ssyncset.done $0x0  }
0xe2: {  	[sflag:s21] =	ssyncadd.s32 $0xFFFFFF80  }
0xe3: {  	_ =	swait.ge [sflag:s21], $0x80  }
0xe4: {  	[sflag:s21] =	ssyncset.done $0x0  }
0xe5: {  	[sflag:s21] =	ssyncadd.s32 $0xFFFFFF80  }
0xe6: {  	_ =	swait.ge [sflag:s21], $0x80  }
0xe7: {  	[sflag:s21] =	ssyncset.done $0x0  }
0xe8: {  	[sflag:s21] =	ssyncadd.s32 $0xFFFFFF80  }
.Ltmp6:
0xe9: {  	_ =	swait.ge [sflag:s21], $0x80;
	(pc) =	sbr.rel @p0 .LBB2_7-.Ltmp6, $4  }
0xea: {  	[sflag:s21] =	ssyncset.done $0x0  }
0xeb: {  	[sflag:s21] =	ssyncadd.s32 $0xFFFFFF80  }
0xec: {  	_ =	swait.ge [sflag:s21], $0x80  }
0xed: {  	[sflag:s21] =	ssyncset.done $0x0  }
.Ltmp7:
0xee: {  	_ = 	snop;
	(pc) =	sbr.rel .LBB2_8-.Ltmp7, $1  }
0xef: {  	_ =	sdelay $0x3  }
.LBB2_10:
0xf0: {  	_ =	sfence.sel $0x180000  }
0xf1: {  	[bflag:$0x0] =	sbarrier.arrive $0xFFFF  }
0xf2: {  	_ =	strace $0x90000047  }
0xf3: {  	s0 =	stileid.u32;
	[bflag:$0x2] =	sbarrier.arrive $0xFFFF  }
0xf4: {  	p0 =	sne.s32 s0, $0x0;
	s0 =	rddreg [dreg:$0x2]  }
0xf5: {  	s0 =	sadd.s32 @!p0 $0x100000, s0  }
0xf6: {  	[sflag:s0] =	ssyncadd.tile.s32 @!p0 $0x1;
	_ =	shalt  }
.Lfunc_end2:
_tile_overlayer_lowered:
.L_overlay_start_2:
0xf7: {  	(tag) =	ssettag $0x2  }
0xf8: {  	s0 =	rddreg [dreg:$0x0];
	s2 =	stileid.u32  }
0xf9: {  	s1 =	rddreg [dreg:$0x1];
	p0 =	sne.s32 s2, $0x0  }
0xfa: {  	s3 =	rddreg [dreg:$0x2];
	[bflag:$0x3] =	sbarrier.arrive $0xFFFF;
	s2 =	simm.s32 @!p0 $0x1C03  }
0xfb: {  	[timem:s3], [sflag:s2] =	dma.local @!p0 [hbm:s0], s1  }
0xfc: {  	s0 =	simm.s32 @!p0 $0x3  }
0xfd: {  	_ =	swait.ge @!p0 [sflag:s0], s1  }
0xfe: {  	s1 =	ssub.s32 @!p0 $0x0, s1;
	[sflag:s0] =	ssyncset.done @!p0 $0x0  }
0xff: {  	[sflag:s0] =	ssyncadd.s32 @!p0 s1  }
0x100: {  	[bflag:$0x3] =	sbarrier.arrive $0xFFFF  }
0x101: {  	_ =	shalt  }

</sc_bundles>
